<compile_context>
chip_gen: v7x
topology: tpu7x:2x2x1
jax: 0.10.2.dev20260603
libtpu: 0.0.44.dev20260713+nightly
codegen_flags: <defaults>
</compile_context>

<pallas_src>
import jax
import jax.numpy as jnp
from jax import lax
from jax.experimental import pallas as pl
from jax.experimental.pallas import tpu as pltpu
from jax.experimental.pallas import tpu_sc as plsc

_N = 10000
_E = 320000
_H = 128
_NH = 4
_DH = _H // _NH
_TEMP = _H ** (-0.5)

_NC = 2
_NS = 16
_EPS = _E // _NS
_CH = 128
_NFULL = _EPS // _CH
_TAIL = _EPS - _NFULL * _CH
_NCHK = _NFULL + 1
_NBUF = 3
_RPS = 640


def _sel_hd():
    d = lax.broadcasted_iota(jnp.int32, (_H, _NH), 0) // _DH
    h = lax.broadcasted_iota(jnp.int32, (_H, _NH), 1)
    return (d == h).astype(jnp.float32)


def _sel_dh():
    d = lax.broadcasted_iota(jnp.int32, (_NH, _H), 1) // _DH
    h = lax.broadcasted_iota(jnp.int32, (_NH, _H), 0)
    return (d == h).astype(jnp.float32)


def _edge_body(k_ref, q_ref, v_ref, ev_ref, exb_ref):
    kq = k_ref[...] * q_ref[...]
    s = lax.dot_general(kq, _sel_hd(), (((1,), (0,)), ((), ())),
                        preferred_element_type=jnp.float32) * _TEMP
    s = jnp.where(s >= 0, s, 0.2 * s)
    ex = jnp.exp(s)
    exb = lax.dot_general(ex, _sel_dh(), (((1,), (0,)), ((), ())),
                          preferred_element_type=jnp.float32)
    ev_ref[...] = v_ref[...] * exb
    exb_ref[...] = exb


def _combine_body(pn_ref, pd_ref, o_ref):
    num = pn_ref[0]
    den = pd_ref[0]
    o_ref[...] = jnp.where(den > 0, num / den, 0.0)


def _scatter_body(ev_hbm, exb_hbm, dst_hbm, z128, acc_out,
                  idx_v, evbuf, acc, sem, sem2):
    c = lax.axis_index("c")
    s = lax.axis_index("s")

    @pl.when(s < _NS - 1)
    def _():
        pltpu.sync_copy(z128.at[pl.ds(s * _RPS, _RPS)],
                        acc.at[pl.ds(s * _RPS, _RPS)])

    @pl.when(s == _NS - 1)
    def _():
        pltpu.sync_copy(z128.at[pl.ds(s * _RPS, _N - (_NS - 1) * _RPS)],
                        acc.at[pl.ds(s * _RPS, _N - (_NS - 1) * _RPS)])

    plsc.subcore_barrier()

    base = s * _EPS

    def run(src_hbm):
        def load(j, buf):
            pltpu.async_copy(
                src_hbm.at[pl.ds(base + j * _CH, _CH)],
                evbuf.at[buf], sem)
            pltpu.async_copy(dst_hbm.at[s].at[pl.ds(j * _CH, _CH)],
                             idx_v.at[buf], sem)

        def wait_load(j, buf):
            pltpu.make_async_copy(
                src_hbm.at[pl.ds(base + j * _CH, _CH)],
                evbuf.at[buf], sem).wait()
            pltpu.make_async_copy(dst_hbm.at[s].at[pl.ds(j * _CH, _CH)],
                                  idx_v.at[buf], sem).wait()

        def wait_scatter(buf):
            pltpu.make_async_copy(evbuf.at[buf], acc.at[idx_v.at[buf]],
                                  sem2).wait()

        load(0, 0)
        load(1, 1)

        def chunk(j, carry):
            buf = lax.rem(j, _NBUF)
            wait_load(j, buf)
            pltpu.async_copy(evbuf.at[buf], acc.at[idx_v.at[buf]],
                             sem2, add=True)

            @pl.when(j >= 1)
            def _():
                wait_scatter(lax.rem(j + 2, _NBUF))

            @pl.when(j + 2 < _NFULL)
            def _():
                load(j + 2, lax.rem(j + 2, _NBUF))

            return carry

        lax.fori_loop(0, _NFULL, chunk, 0)
        wait_scatter((_NFULL - 1) % _NBUF)
        pltpu.sync_copy(z128.at[pl.ds(0, _CH - _TAIL)],
                        evbuf.at[0].at[pl.ds(_TAIL, _CH - _TAIL)])
        pltpu.sync_copy(src_hbm.at[pl.ds(base + _NFULL * _CH, _TAIL)],
                        evbuf.at[0].at[pl.ds(0, _TAIL)])
        pltpu.sync_copy(dst_hbm.at[s].at[pl.ds(_NFULL * _CH, _CH)],
                        idx_v.at[0])
        pltpu.sync_copy(evbuf.at[0], acc.at[idx_v.at[0]], add=True)

    @pl.when(c == 0)
    def _():
        run(ev_hbm)

    @pl.when(c == 1)
    def _():
        run(exb_hbm)

    plsc.subcore_barrier()

    @pl.when(s < _NS - 1)
    def _():
        pltpu.sync_copy(acc.at[pl.ds(s * _RPS, _RPS)],
                        acc_out.at[c].at[pl.ds(s * _RPS, _RPS)])

    @pl.when(s == _NS - 1)
    def _():
        pltpu.sync_copy(acc.at[pl.ds(s * _RPS, _N - (_NS - 1) * _RPS)],
                        acc_out.at[c].at[pl.ds(s * _RPS, _N - (_NS - 1) * _RPS)])


def kernel(keys, queries, values, edge_index):
    f32 = jnp.float32
    be = 2000
    ev, exb = pl.pallas_call(
        _edge_body,
        grid=(_E // be,),
        in_specs=[pl.BlockSpec((be, _H), lambda i: (i, 0))] * 3,
        out_specs=[pl.BlockSpec((be, _H), lambda i: (i, 0)),
                   pl.BlockSpec((be, _H), lambda i: (i, 0))],
        out_shape=[jax.ShapeDtypeStruct((_E, _H), f32),
                   jax.ShapeDtypeStruct((_E, _H), f32)],
    )(keys, queries, values)

    pad = _NCHK * _CH - _EPS
    dst3 = jnp.pad(edge_index[1].reshape(_NS, _EPS), ((0, 0), (0, pad)))
    z128 = jnp.zeros((_N, _H), f32)

    mesh = plsc.VectorSubcoreMesh(core_axis_name="c", subcore_axis_name="s")
    parts = pl.kernel(
        _scatter_body,
        out_type=jax.ShapeDtypeStruct((_NC, _N, _H), f32),
        mesh=mesh,
        scratch_types=[
            pltpu.VMEM((_NBUF, _CH), jnp.int32),
            pltpu.VMEM((_NBUF, _CH, _H), f32),
            pltpu.VMEM_SHARED((_N, _H), f32),
            pltpu.SemaphoreType.DMA,
            pltpu.SemaphoreType.DMA,
        ],
    )(ev, exb, dst3, z128)

    bn = 2000
    out = pl.pallas_call(
        _combine_body,
        grid=(_N // bn,),
        in_specs=[pl.BlockSpec((1, bn, _H), lambda i: (0, i, 0)),
                  pl.BlockSpec((1, bn, _H), lambda i: (1, i, 0))],
        out_specs=pl.BlockSpec((bn, _H), lambda i: (i, 0)),
        out_shape=jax.ShapeDtypeStruct((_N, _H), f32),
    )(parts, parts)
    return out

# --- scband reference (transcript-rebuilt; emitter-appended) ---
"""Pipeline reference for scband-graph-attention-27333171872092 (READ-ONLY COPY).

The authoritative reference and input builder live on the scoring server;
editing this copy changes nothing except your own understanding.
"""

import jax, jax.numpy as jnp
import numpy as np

N_NODES = 10000
N_EDGES = 320000
HIDDEN = 128
NHEADS = 4
DHEAD = HIDDEN // NHEADS
TEMP = HIDDEN ** (-0.5)


def setup_inputs(seed: int = 0) -> dict:
    key = jax.random.key(seed)
    k1, k2, k3, k4 = jax.random.split(key, 4)
    keys = jax.random.normal(k1, (N_EDGES, HIDDEN), dtype=jnp.float32)
    queries = jax.random.normal(k2, (N_EDGES, HIDDEN), dtype=jnp.float32)
    values = jax.random.normal(k3, (N_EDGES, HIDDEN), dtype=jnp.float32)
    edge_index = jax.random.randint(k4, (2, N_EDGES), 0, N_NODES, dtype=jnp.int32)
    return {"keys": keys, "queries": queries, "values": values, "edge_index": edge_index}


def reference(keys, queries, values, edge_index):
    dst = edge_index[1]
    k = keys.reshape(N_EDGES, NHEADS, DHEAD)
    q = queries.reshape(N_EDGES, NHEADS, DHEAD)
    v = values.reshape(N_EDGES, NHEADS, DHEAD)
    # attention scores per edge per head
    scores = (k * q).sum(-1) * TEMP  # (E, H)
    scores = jax.nn.leaky_relu(scores, negative_slope=0.2)
    # edge_softmax: softmax over incoming edges of each dst node
    smax = jax.ops.segment_max(scores, dst, num_segments=N_NODES)  # (N, H)
    smax = jnp.where(jnp.isfinite(smax), smax, 0.0)
    ex = jnp.exp(scores - smax[dst])
    denom = jax.ops.segment_sum(ex, dst, num_segments=N_NODES)  # (N, H)
    weights = ex / denom[dst]
    # dropout p=0.0 -> identity; no mask
    weighted_v = weights[..., None] * v  # (E, H, Dh)
    out = jax.ops.segment_sum(weighted_v, dst, num_segments=N_NODES)  # (N, H, Dh)
    return out.reshape(N_NODES, HIDDEN)

if __name__ == "__main__":
    import jax
    _d = setup_inputs()
    print(jax.jit(kernel)(*tuple(_d.values())))

</pallas_src>

<mosaic_0001>
#map = affine_map<(d0, d1) -> (0, 0)>
#map1 = affine_map<(d0, d1) -> (0, 0, 0)>
module attributes {stable_mosaic.version = 14 : i64} {
  func.func @_scatter_body(%arg0: i32, %arg1: i32, %arg2: memref<320000x128xf32, #tpu.memory_space<hbm>>, %arg3: memref<320000x128xf32, #tpu.memory_space<hbm>>, %arg4: memref<16x20096xi32, #tpu.memory_space<hbm>>, %arg5: memref<10000x128xf32, #tpu.memory_space<hbm>>, %arg6: memref<2x10000x128xf32, #tpu.memory_space<hbm>>, %arg7: memref<3x128xi32, #tpu.memory_space<vmem>>, %arg8: memref<3x128x128xf32, #tpu.memory_space<vmem>>, %arg9: memref<10000x128xf32, #tpu.memory_space<vmem_shared>>, %arg10: memref<!tpu.dma_semaphore, #tpu.memory_space<semaphore_mem>>, %arg11: memref<!tpu.dma_semaphore, #tpu.memory_space<semaphore_mem>>) attributes {dimension_semantics = [#tpu.dimension_semantics<core_parallel>, #tpu.dimension_semantics<subcore_parallel>], iteration_bounds = array<i64: 2, 16>, scalar_prefetch = 0 : i64, scratch_operands = 5 : i64, tpu.core_type = #tpu.core_type<sc_vector_subcore>, window_params = [{transform_indices = #map}, {transform_indices = #map}, {transform_indices = #map}, {transform_indices = #map}, {transform_indices = #map1}]} {
    %lt3A = arith.constant 15 : i32
    %lt3A_0 = arith.cmpi slt, %arg1, %lt3A : i32
    %convert_element_type3A = arith.extui %lt3A_0 : i1 to i32
    %cond3A = arith.constant 0 : i32
    %cond3A_1 = arith.cmpi ne, %convert_element_type3A, %cond3A : i32
    scf.if %cond3A_1 {
      %mul3A_28 = arith.constant 640 : i32
      %mul3A_29 = arith.muli %arg1, %mul3A_28 : i32
      %mul3A_30 = arith.constant 640 : i32
      %mul3A_31 = arith.muli %arg1, %mul3A_30 : i32
      "tpu.region"() ({
        %run_scoped3A = tpu.sem_alloc : memref<!tpu.dma_semaphore, #tpu.memory_space<semaphore_mem>>
        %dma_start3A = arith.constant 0 : i32
        %dma_start3A_32 = tpu.memref_slice %arg9[%mul3A_31, %dma_start3A] : memref<10000x128xf32, #tpu.memory_space<vmem_shared>> -> memref<640x128xf32, #tpu.memory_space<vmem_shared>>
        %dma_start3A_33 = arith.constant 0 : i32
        %dma_start3A_34 = tpu.memref_slice %arg5[%mul3A_29, %dma_start3A_33] : memref<10000x128xf32, #tpu.memory_space<hbm>> -> memref<640x128xf32, #tpu.memory_space<hbm>>
        tpu.enqueue_dma source(%dma_start3A_34 : memref<640x128xf32, #tpu.memory_space<hbm>>) target(%dma_start3A_32 : memref<640x128xf32, #tpu.memory_space<vmem_shared>>) target_semaphore(%run_scoped3A : memref<!tpu.dma_semaphore, #tpu.memory_space<semaphore_mem>>)
        %dma_wait3A = arith.constant 0 : i32
        %dma_wait3A_35 = tpu.memref_slice %arg9[%mul3A_31, %dma_wait3A] : memref<10000x128xf32, #tpu.memory_space<vmem_shared>> -> memref<640x128xf32, #tpu.memory_space<vmem_shared>>
        %dma_wait3A_36 = arith.constant 0 : i32
        %dma_wait3A_37 = tpu.memref_slice %arg5[%mul3A_29, %dma_wait3A_36] : memref<10000x128xf32, #tpu.memory_space<hbm>> -> memref<640x128xf32, #tpu.memory_space<hbm>>
        tpu.wait_dma2 semaphore(%run_scoped3A : memref<!tpu.dma_semaphore, #tpu.memory_space<semaphore_mem>>) src(%dma_wait3A_37 : memref<640x128xf32, #tpu.memory_space<hbm>>) dst(%dma_wait3A_35 : memref<640x128xf32, #tpu.memory_space<vmem_shared>>)
        tpu.yield
      }) : () -> ()
    } else {
    }
    %eq3A = arith.constant 15 : i32
    %eq3A_2 = arith.cmpi eq, %arg1, %eq3A : i32
    %convert_element_type3A_3 = arith.extui %eq3A_2 : i1 to i32
    %cond3A_4 = arith.constant 0 : i32
    %cond3A_5 = arith.cmpi ne, %convert_element_type3A_3, %cond3A_4 : i32
    scf.if %cond3A_5 {
      %mul3A_28 = arith.constant 640 : i32
      %mul3A_29 = arith.muli %arg1, %mul3A_28 : i32
      %mul3A_30 = arith.constant 640 : i32
      %mul3A_31 = arith.muli %arg1, %mul3A_30 : i32
      "tpu.region"() ({
        %run_scoped3A = tpu.sem_alloc : memref<!tpu.dma_semaphore, #tpu.memory_space<semaphore_mem>>
        %dma_start3A = arith.constant 0 : i32
        %dma_start3A_32 = tpu.memref_slice %arg9[%mul3A_31, %dma_start3A] : memref<10000x128xf32, #tpu.memory_space<vmem_shared>> -> memref<400x128xf32, #tpu.memory_space<vmem_shared>>
        %dma_start3A_33 = arith.constant 0 : i32
        %dma_start3A_34 = tpu.memref_slice %arg5[%mul3A_29, %dma_start3A_33] : memref<10000x128xf32, #tpu.memory_space<hbm>> -> memref<400x128xf32, #tpu.memory_space<hbm>>
        tpu.enqueue_dma source(%dma_start3A_34 : memref<400x128xf32, #tpu.memory_space<hbm>>) target(%dma_start3A_32 : memref<400x128xf32, #tpu.memory_space<vmem_shared>>) target_semaphore(%run_scoped3A : memref<!tpu.dma_semaphore, #tpu.memory_space<semaphore_mem>>)
        %dma_wait3A = arith.constant 0 : i32
        %dma_wait3A_35 = tpu.memref_slice %arg9[%mul3A_31, %dma_wait3A] : memref<10000x128xf32, #tpu.memory_space<vmem_shared>> -> memref<400x128xf32, #tpu.memory_space<vmem_shared>>
        %dma_wait3A_36 = arith.constant 0 : i32
        %dma_wait3A_37 = tpu.memref_slice %arg5[%mul3A_29, %dma_wait3A_36] : memref<10000x128xf32, #tpu.memory_space<hbm>> -> memref<400x128xf32, #tpu.memory_space<hbm>>
        tpu.wait_dma2 semaphore(%run_scoped3A : memref<!tpu.dma_semaphore, #tpu.memory_space<semaphore_mem>>) src(%dma_wait3A_37 : memref<400x128xf32, #tpu.memory_space<hbm>>) dst(%dma_wait3A_35 : memref<400x128xf32, #tpu.memory_space<vmem_shared>>)
        tpu.yield
      }) : () -> ()
    } else {
    }
    %barrier3A = arith.constant 0 : index
    tpu.barrier barrier_id(%barrier3A)
    %mul3A = arith.constant 20000 : i32
    %mul3A_6 = arith.muli %arg1, %mul3A : i32
    %eq3A_7 = arith.constant 0 : i32
    %eq3A_8 = arith.cmpi eq, %arg0, %eq3A_7 : i32
    %convert_element_type3A_9 = arith.extui %eq3A_8 : i1 to i32
    %cond3A_10 = arith.constant 0 : i32
    %cond3A_11 = arith.cmpi ne, %convert_element_type3A_9, %cond3A_10 : i32
    scf.if %cond3A_11 {
      %add3A = arith.constant 0 : i32
      %add3A_28 = arith.addi %mul3A_6, %add3A : i32
      %dma_start3A = arith.constant 0 : i32
      %dma_start3A_29 = arith.constant 0 : i32
      %dma_start3A_30 = arith.constant 0 : i32
      %dma_start3A_31 = tpu.memref_slice %arg8[%dma_start3A, %dma_start3A_29, %dma_start3A_30] : memref<3x128x128xf32, #tpu.memory_space<vmem>> -> memref<1x128x128xf32, #tpu.memory_space<vmem>>
      %dma_start3A_32 = tpu.memref_squeeze %dma_start3A_31 : memref<1x128x128xf32, #tpu.memory_space<vmem>> -> memref<128x128xf32, #tpu.memory_space<vmem>>
      %dma_start3A_33 = arith.constant 0 : i32
      %dma_start3A_34 = tpu.memref_slice %arg2[%add3A_28, %dma_start3A_33] : memref<320000x128xf32, #tpu.memory_space<hbm>> -> memref<128x128xf32, #tpu.memory_space<hbm>>
      %dma_start3A_35 = arith.constant 0 : i32
      %dma_start3A_36 = arith.constant 0 : i32
      %dma_start3A_37 = tpu.memref_slice %arg8[%dma_start3A, %dma_start3A_35, %dma_start3A_36] : memref<3x128x128xf32, #tpu.memory_space<vmem>> -> memref<1x128x128xf32, #tpu.memory_space<vmem>>
      %dma_start3A_38 = tpu.memref_squeeze %dma_start3A_37 : memref<1x128x128xf32, #tpu.memory_space<vmem>> -> memref<128x128xf32, #tpu.memory_space<vmem>>
      %dma_start3A_39 = arith.constant 0 : i32
      %dma_start3A_40 = tpu.memref_slice %arg2[%add3A_28, %dma_start3A_39] : memref<320000x128xf32, #tpu.memory_space<hbm>> -> memref<128x128xf32, #tpu.memory_space<hbm>>
      tpu.enqueue_dma source(%dma_start3A_40 : memref<128x128xf32, #tpu.memory_space<hbm>>) target(%dma_start3A_38 : memref<128x128xf32, #tpu.memory_space<vmem>>) target_semaphore(%arg10 : memref<!tpu.dma_semaphore, #tpu.memory_space<semaphore_mem>>)
      %dma_start3A_41 = arith.constant 0 : i32
      %dma_start3A_42 = arith.constant 0 : i32
      %dma_start3A_43 = tpu.memref_slice %arg7[%dma_start3A_41, %dma_start3A_42] : memref<3x128xi32, #tpu.memory_space<vmem>> -> memref<1x128xi32, #tpu.memory_space<vmem>>
      %dma_start3A_44 = tpu.memref_squeeze %dma_start3A_43 : memref<1x128xi32, #tpu.memory_space<vmem>> -> memref<128xi32, #tpu.memory_space<vmem>>
      %dma_start3A_45 = arith.constant 0 : i32
      %dma_start3A_46 = tpu.memref_slice %arg4[%arg1, %dma_start3A_45] : memref<16x20096xi32, #tpu.memory_space<hbm>> -> memref<1x20096xi32, #tpu.memory_space<hbm>>
      %dma_start3A_47 = tpu.memref_squeeze %dma_start3A_46 : memref<1x20096xi32, #tpu.memory_space<hbm>> -> memref<20096xi32, #tpu.memory_space<hbm>>
      %dma_start3A_48 = arith.constant 0 : i32
      %dma_start3A_49 = tpu.memref_slice %dma_start3A_47[%dma_start3A_48] : memref<20096xi32, #tpu.memory_space<hbm>> -> memref<128xi32, #tpu.memory_space<hbm>>
      %dma_start3A_50 = arith.constant 0 : i32
      %dma_start3A_51 = tpu.memref_slice %arg7[%dma_start3A_41, %dma_start3A_50] : memref<3x128xi32, #tpu.memory_space<vmem>> -> memref<1x128xi32, #tpu.memory_space<vmem>>
      %dma_start3A_52 = tpu.memref_squeeze %dma_start3A_51 : memref<1x128xi32, #tpu.memory_space<vmem>> -> memref<128xi32, #tpu.memory_space<vmem>>
      %dma_start3A_53 = arith.constant 0 : i32
      %dma_start3A_54 = tpu.memref_slice %arg4[%arg1, %dma_start3A_53] : memref<16x20096xi32, #tpu.memory_space<hbm>> -> memref<1x20096xi32, #tpu.memory_space<hbm>>
      %dma_start3A_55 = tpu.memref_squeeze %dma_start3A_54 : memref<1x20096xi32, #tpu.memory_space<hbm>> -> memref<20096xi32, #tpu.memory_space<hbm>>
      %dma_start3A_56 = arith.constant 0 : i32
      %dma_start3A_57 = tpu.memref_slice %dma_start3A_55[%dma_start3A_56] : memref<20096xi32, #tpu.memory_space<hbm>> -> memref<128xi32, #tpu.memory_space<hbm>>
      tpu.enqueue_dma source(%dma_start3A_57 : memref<128xi32, #tpu.memory_space<hbm>>) target(%dma_start3A_52 : memref<128xi32, #tpu.memory_space<vmem>>) target_semaphore(%arg10 : memref<!tpu.dma_semaphore, #tpu.memory_space<semaphore_mem>>)
      %add3A_58 = arith.constant 128 : i32
      %add3A_59 = arith.addi %mul3A_6, %add3A_58 : i32
      %dma_start3A_60 = arith.constant 1 : i32
      %dma_start3A_61 = arith.constant 0 : i32
      %dma_start3A_62 = arith.constant 0 : i32
      %dma_start3A_63 = tpu.memref_slice %arg8[%dma_start3A_60, %dma_start3A_61, %dma_start3A_62] : memref<3x128x128xf32, #tpu.memory_space<vmem>> -> memref<1x128x128xf32, #tpu.memory_space<vmem>>
      %dma_start3A_64 = tpu.memref_squeeze %dma_start3A_63 : memref<1x128x128xf32, #tpu.memory_space<vmem>> -> memref<128x128xf32, #tpu.memory_space<vmem>>
      %dma_start3A_65 = arith.constant 0 : i32
      %dma_start3A_66 = tpu.memref_slice %arg2[%add3A_59, %dma_start3A_65] : memref<320000x128xf32, #tpu.memory_space<hbm>> -> memref<128x128xf32, #tpu.memory_space<hbm>>
      %dma_start3A_67 = arith.constant 0 : i32
      %dma_start3A_68 = arith.constant 0 : i32
      %dma_start3A_69 = tpu.memref_slice %arg8[%dma_start3A_60, %dma_start3A_67, %dma_start3A_68] : memref<3x128x128xf32, #tpu.memory_space<vmem>> -> memref<1x128x128xf32, #tpu.memory_space<vmem>>
      %dma_start3A_70 = tpu.memref_squeeze %dma_start3A_69 : memref<1x128x128xf32, #tpu.memory_space<vmem>> -> memref<128x128xf32, #tpu.memory_space<vmem>>
      %dma_start3A_71 = arith.constant 0 : i32
      %dma_start3A_72 = tpu.memref_slice %arg2[%add3A_59, %dma_start3A_71] : memref<320000x128xf32, #tpu.memory_space<hbm>> -> memref<128x128xf32, #tpu.memory_space<hbm>>
      tpu.enqueue_dma source(%dma_start3A_72 : memref<128x128xf32, #tpu.memory_space<hbm>>) target(%dma_start3A_70 : memref<128x128xf32, #tpu.memory_space<vmem>>) target_semaphore(%arg10 : memref<!tpu.dma_semaphore, #tpu.memory_space<semaphore_mem>>)
      %dma_start3A_73 = arith.constant 1 : i32
      %dma_start3A_74 = arith.constant 0 : i32
      %dma_start3A_75 = tpu.memref_slice %arg7[%dma_start3A_73, %dma_start3A_74] : memref<3x128xi32, #tpu.memory_space<vmem>> -> memref<1x128xi32, #tpu.memory_space<vmem>>
      %dma_start3A_76 = tpu.memref_squeeze %dma_start3A_75 : memref<1x128xi32, #tpu.memory_space<vmem>> -> memref<128xi32, #tpu.memory_space<vmem>>
      %dma_start3A_77 = arith.constant 0 : i32
      %dma_start3A_78 = tpu.memref_slice %arg4[%arg1, %dma_start3A_77] : memref<16x20096xi32, #tpu.memory_space<hbm>> -> memref<1x20096xi32, #tpu.memory_space<hbm>>
      %dma_start3A_79 = tpu.memref_squeeze %dma_start3A_78 : memref<1x20096xi32, #tpu.memory_space<hbm>> -> memref<20096xi32, #tpu.memory_space<hbm>>
      %dma_start3A_80 = arith.constant 128 : i32
      %dma_start3A_81 = tpu.memref_slice %dma_start3A_79[%dma_start3A_80] : memref<20096xi32, #tpu.memory_space<hbm>> -> memref<128xi32, #tpu.memory_space<hbm>>
      %dma_start3A_82 = arith.constant 0 : i32
      %dma_start3A_83 = tpu.memref_slice %arg7[%dma_start3A_73, %dma_start3A_82] : memref<3x128xi32, #tpu.memory_space<vmem>> -> memref<1x128xi32, #tpu.memory_space<vmem>>
      %dma_start3A_84 = tpu.memref_squeeze %dma_start3A_83 : memref<1x128xi32, #tpu.memory_space<vmem>> -> memref<128xi32, #tpu.memory_space<vmem>>
      %dma_start3A_85 = arith.constant 0 : i32
      %dma_start3A_86 = tpu.memref_slice %arg4[%arg1, %dma_start3A_85] : memref<16x20096xi32, #tpu.memory_space<hbm>> -> memref<1x20096xi32, #tpu.memory_space<hbm>>
      %dma_start3A_87 = tpu.memref_squeeze %dma_start3A_86 : memref<1x20096xi32, #tpu.memory_space<hbm>> -> memref<20096xi32, #tpu.memory_space<hbm>>
      %dma_start3A_88 = arith.constant 128 : i32
      %dma_start3A_89 = tpu.memref_slice %dma_start3A_87[%dma_start3A_88] : memref<20096xi32, #tpu.memory_space<hbm>> -> memref<128xi32, #tpu.memory_space<hbm>>
      tpu.enqueue_dma source(%dma_start3A_89 : memref<128xi32, #tpu.memory_space<hbm>>) target(%dma_start3A_84 : memref<128xi32, #tpu.memory_space<vmem>>) target_semaphore(%arg10 : memref<!tpu.dma_semaphore, #tpu.memory_space<semaphore_mem>>)
      %scan3A = arith.constant 0 : i32
      %scan3A_90 = arith.constant 0 : i32
      %scan3A_91 = arith.constant 156 : i32
      %scan3A_92 = arith.addi %scan3A_90, %scan3A_91 : i32
      %scan3A_93 = arith.constant 1 : i32
      scf.for %scan3A_112 = %scan3A_90 to %scan3A_92 step %scan3A_93  : i32 {
        %rem3A = arith.constant 3 : i32
        %rem3A_113 = arith.remsi %scan3A_112, %rem3A : i32
        %mul3A_114 = arith.constant 128 : i32
        %mul3A_115 = arith.muli %scan3A_112, %mul3A_114 : i32
        %add3A_116 = arith.addi %mul3A_6, %mul3A_115 : i32
        %dma_wait3A_117 = arith.constant 0 : i32
        %dma_wait3A_118 = arith.constant 0 : i32
        %dma_wait3A_119 = tpu.memref_slice %arg8[%rem3A_113, %dma_wait3A_117, %dma_wait3A_118] : memref<3x128x128xf32, #tpu.memory_space<vmem>> -> memref<1x128x128xf32, #tpu.memory_space<vmem>>
        %dma_wait3A_120 = tpu.memref_squeeze %dma_wait3A_119 : memref<1x128x128xf32, #tpu.memory_space<vmem>> -> memref<128x128xf32, #tpu.memory_space<vmem>>
        %dma_wait3A_121 = arith.constant 0 : i32
        %dma_wait3A_122 = tpu.memref_slice %arg2[%add3A_116, %dma_wait3A_121] : memref<320000x128xf32, #tpu.memory_space<hbm>> -> memref<128x128xf32, #tpu.memory_space<hbm>>
        %dma_wait3A_123 = arith.constant 0 : i32
        %dma_wait3A_124 = arith.constant 0 : i32
        %dma_wait3A_125 = tpu.memref_slice %arg8[%rem3A_113, %dma_wait3A_123, %dma_wait3A_124] : memref<3x128x128xf32, #tpu.memory_space<vmem>> -> memref<1x128x128xf32, #tpu.memory_space<vmem>>
        %dma_wait3A_126 = tpu.memref_squeeze %dma_wait3A_125 : memref<1x128x128xf32, #tpu.memory_space<vmem>> -> memref<128x128xf32, #tpu.memory_space<vmem>>
        %dma_wait3A_127 = arith.constant 0 : i32
        %dma_wait3A_128 = tpu.memref_slice %arg2[%add3A_116, %dma_wait3A_127] : memref<320000x128xf32, #tpu.memory_space<hbm>> -> memref<128x128xf32, #tpu.memory_space<hbm>>
        tpu.wait_dma2 semaphore(%arg10 : memref<!tpu.dma_semaphore, #tpu.memory_space<semaphore_mem>>) src(%dma_wait3A_128 : memref<128x128xf32, #tpu.memory_space<hbm>>) dst(%dma_wait3A_126 : memref<128x128xf32, #tpu.memory_space<vmem>>)
        %mul3A_129 = arith.constant 128 : i32
        %mul3A_130 = arith.muli %scan3A_112, %mul3A_129 : i32
        %dma_wait3A_131 = arith.constant 0 : i32
        %dma_wait3A_132 = tpu.memref_slice %arg7[%rem3A_113, %dma_wait3A_131] : memref<3x128xi32, #tpu.memory_space<vmem>> -> memref<1x128xi32, #tpu.memory_space<vmem>>
        %dma_wait3A_133 = tpu.memref_squeeze %dma_wait3A_132 : memref<1x128xi32, #tpu.memory_space<vmem>> -> memref<128xi32, #tpu.memory_space<vmem>>
        %dma_wait3A_134 = arith.constant 0 : i32
        %dma_wait3A_135 = tpu.memref_slice %arg4[%arg1, %dma_wait3A_134] : memref<16x20096xi32, #tpu.memory_space<hbm>> -> memref<1x20096xi32, #tpu.memory_space<hbm>>
        %dma_wait3A_136 = tpu.memref_squeeze %dma_wait3A_135 : memref<1x20096xi32, #tpu.memory_space<hbm>> -> memref<20096xi32, #tpu.memory_space<hbm>>
        %dma_wait3A_137 = tpu.memref_slice %dma_wait3A_136[%mul3A_130] : memref<20096xi32, #tpu.memory_space<hbm>> -> memref<128xi32, #tpu.memory_space<hbm>>
        %dma_wait3A_138 = arith.constant 0 : i32
        %dma_wait3A_139 = tpu.memref_slice %arg7[%rem3A_113, %dma_wait3A_138] : memref<3x128xi32, #tpu.memory_space<vmem>> -> memref<1x128xi32, #tpu.memory_space<vmem>>
        %dma_wait3A_140 = tpu.memref_squeeze %dma_wait3A_139 : memref<1x128xi32, #tpu.memory_space<vmem>> -> memref<128xi32, #tpu.memory_space<vmem>>
        %dma_wait3A_141 = arith.constant 0 : i32
        %dma_wait3A_142 = tpu.memref_slice %arg4[%arg1, %dma_wait3A_141] : memref<16x20096xi32, #tpu.memory_space<hbm>> -> memref<1x20096xi32, #tpu.memory_space<hbm>>
        %dma_wait3A_143 = tpu.memref_squeeze %dma_wait3A_142 : memref<1x20096xi32, #tpu.memory_space<hbm>> -> memref<20096xi32, #tpu.memory_space<hbm>>
        %dma_wait3A_144 = tpu.memref_slice %dma_wait3A_143[%mul3A_130] : memref<20096xi32, #tpu.memory_space<hbm>> -> memref<128xi32, #tpu.memory_space<hbm>>
        tpu.wait_dma2 semaphore(%arg10 : memref<!tpu.dma_semaphore, #tpu.memory_space<semaphore_mem>>) src(%dma_wait3A_144 : memref<128xi32, #tpu.memory_space<hbm>>) dst(%dma_wait3A_140 : memref<128xi32, #tpu.memory_space<vmem>>)
        %dma_start3A_145 = arith.constant 0 : i32
        %dma_start3A_146 = arith.constant 0 : i32
        %dma_start3A_147 = tpu.memref_slice %arg8[%rem3A_113, %dma_start3A_145, %dma_start3A_146] : memref<3x128x128xf32, #tpu.memory_space<vmem>> -> memref<1x128x128xf32, #tpu.memory_space<vmem>>
        %dma_start3A_148 = tpu.memref_squeeze %dma_start3A_147 : memref<1x128x128xf32, #tpu.memory_space<vmem>> -> memref<128x128xf32, #tpu.memory_space<vmem>>
        %dma_start3A_149 = arith.constant 0 : i32
        %dma_start3A_150 = tpu.memref_slice %arg7[%rem3A_113, %dma_start3A_149] : memref<3x128xi32, #tpu.memory_space<vmem>> -> memref<1x128xi32, #tpu.memory_space<vmem>>
        %dma_start3A_151 = tpu.memref_squeeze %dma_start3A_150 : memref<1x128xi32, #tpu.memory_space<vmem>> -> memref<128xi32, #tpu.memory_space<vmem>>
        %dma_start3A_152 = arith.constant 0 : i32
        %dma_start3A_153 = arith.constant 0 : i32
        %dma_start3A_154 = tpu.memref_slice %arg9[%dma_start3A_152, %dma_start3A_153] : memref<10000x128xf32, #tpu.memory_space<vmem_shared>> -> memref<10000x128xf32, #tpu.memory_space<vmem_shared>>
        tpu.enqueue_indirect_dma source(%dma_start3A_148 : memref<128x128xf32, #tpu.memory_space<vmem>>) target(%dma_start3A_154 : memref<10000x128xf32, #tpu.memory_space<vmem_shared>>) offsets(%dma_start3A_151 : memref<128xi32, #tpu.memory_space<vmem>>) semaphore(%arg11 : memref<!tpu.dma_semaphore, #tpu.memory_space<semaphore_mem>>) {add = true}
        %ge3A = arith.constant 1 : i32
        %ge3A_155 = arith.cmpi sge, %scan3A_112, %ge3A : i32
        %convert_element_type3A_156 = arith.extui %ge3A_155 : i1 to i32
        %cond3A_157 = arith.constant 0 : i32
        %cond3A_158 = arith.cmpi ne, %convert_element_type3A_156, %cond3A_157 : i32
        scf.if %cond3A_158 {
          %add3A_166 = arith.constant 2 : i32
          %add3A_167 = arith.addi %scan3A_112, %add3A_166 : i32
          %rem3A_168 = arith.constant 3 : i32
          %rem3A_169 = arith.remsi %add3A_167, %rem3A_168 : i32
          %dma_wait3A_170 = arith.constant 0 : i32
          %dma_wait3A_171 = arith.constant 0 : i32
          %dma_wait3A_172 = tpu.memref_slice %arg8[%rem3A_169, %dma_wait3A_170, %dma_wait3A_171] : memref<3x128x128xf32, #tpu.memory_space<vmem>> -> memref<1x128x128xf32, #tpu.memory_space<vmem>>
          %dma_wait3A_173 = tpu.memref_squeeze %dma_wait3A_172 : memref<1x128x128xf32, #tpu.memory_space<vmem>> -> memref<128x128xf32, #tpu.memory_space<vmem>>
          %dma_wait3A_174 = arith.constant 0 : i32
          %dma_wait3A_175 = tpu.memref_slice %arg7[%rem3A_169, %dma_wait3A_174] : memref<3x128xi32, #tpu.memory_space<vmem>> -> memref<1x128xi32, #tpu.memory_space<vmem>>
          %dma_wait3A_176 = tpu.memref_squeeze %dma_wait3A_175 : memref<1x128xi32, #tpu.memory_space<vmem>> -> memref<128xi32, #tpu.memory_space<vmem>>
          %dma_wait3A_177 = arith.constant 0 : i32
          %dma_wait3A_178 = arith.constant 0 : i32
          %dma_wait3A_179 = tpu.memref_slice %arg9[%dma_wait3A_177, %dma_wait3A_178] : memref<10000x128xf32, #tpu.memory_space<vmem_shared>> -> memref<10000x128xf32, #tpu.memory_space<vmem_shared>>
          tpu.wait_indirect_dma semaphore(%arg11 : memref<!tpu.dma_semaphore, #tpu.memory_space<semaphore_mem>>) src(%dma_wait3A_173 : memref<128x128xf32, #tpu.memory_space<vmem>>) dst(%dma_wait3A_179 : memref<10000x128xf32, #tpu.memory_space<vmem_shared>>)
        } else {
        }
        %add3A_159 = arith.constant 2 : i32
        %add3A_160 = arith.addi %scan3A_112, %add3A_159 : i32
        %lt3A_161 = arith.constant 156 : i32
        %lt3A_162 = arith.cmpi slt, %add3A_160, %lt3A_161 : i32
        %convert_element_type3A_163 = arith.extui %lt3A_162 : i1 to i32
        %cond3A_164 = arith.constant 0 : i32
        %cond3A_165 = arith.cmpi ne, %convert_element_type3A_163, %cond3A_164 : i32
        scf.if %cond3A_165 {
          %add3A_166 = arith.constant 2 : i32
          %add3A_167 = arith.addi %scan3A_112, %add3A_166 : i32
          %add3A_168 = arith.constant 2 : i32
          %add3A_169 = arith.addi %scan3A_112, %add3A_168 : i32
          %rem3A_170 = arith.constant 3 : i32
          %rem3A_171 = arith.remsi %add3A_169, %rem3A_170 : i32
          %mul3A_172 = arith.constant 128 : i32
          %mul3A_173 = arith.muli %add3A_167, %mul3A_172 : i32
          %add3A_174 = arith.addi %mul3A_6, %mul3A_173 : i32
          %dma_start3A_175 = arith.constant 0 : i32
          %dma_start3A_176 = arith.constant 0 : i32
          %dma_start3A_177 = tpu.memref_slice %arg8[%rem3A_171, %dma_start3A_175, %dma_start3A_176] : memref<3x128x128xf32, #tpu.memory_space<vmem>> -> memref<1x128x128xf32, #tpu.memory_space<vmem>>
          %dma_start3A_178 = tpu.memref_squeeze %dma_start3A_177 : memref<1x128x128xf32, #tpu.memory_space<vmem>> -> memref<128x128xf32, #tpu.memory_space<vmem>>
          %dma_start3A_179 = arith.constant 0 : i32
          %dma_start3A_180 = tpu.memref_slice %arg2[%add3A_174, %dma_start3A_179] : memref<320000x128xf32, #tpu.memory_space<hbm>> -> memref<128x128xf32, #tpu.memory_space<hbm>>
          %dma_start3A_181 = arith.constant 0 : i32
          %dma_start3A_182 = arith.constant 0 : i32
          %dma_start3A_183 = tpu.memref_slice %arg8[%rem3A_171, %dma_start3A_181, %dma_start3A_182] : memref<3x128x128xf32, #tpu.memory_space<vmem>> -> memref<1x128x128xf32, #tpu.memory_space<vmem>>
          %dma_start3A_184 = tpu.memref_squeeze %dma_start3A_183 : memref<1x128x128xf32, #tpu.memory_space<vmem>> -> memref<128x128xf32, #tpu.memory_space<vmem>>
          %dma_start3A_185 = arith.constant 0 : i32
          %dma_start3A_186 = tpu.memref_slice %arg2[%add3A_174, %dma_start3A_185] : memref<320000x128xf32, #tpu.memory_space<hbm>> -> memref<128x128xf32, #tpu.memory_space<hbm>>
          tpu.enqueue_dma source(%dma_start3A_186 : memref<128x128xf32, #tpu.memory_space<hbm>>) target(%dma_start3A_184 : memref<128x128xf32, #tpu.memory_space<vmem>>) target_semaphore(%arg10 : memref<!tpu.dma_semaphore, #tpu.memory_space<semaphore_mem>>)
          %mul3A_187 = arith.constant 128 : i32
          %mul3A_188 = arith.muli %add3A_167, %mul3A_187 : i32
          %dma_start3A_189 = arith.constant 0 : i32
          %dma_start3A_190 = tpu.memref_slice %arg7[%rem3A_171, %dma_start3A_189] : memref<3x128xi32, #tpu.memory_space<vmem>> -> memref<1x128xi32, #tpu.memory_space<vmem>>
          %dma_start3A_191 = tpu.memref_squeeze %dma_start3A_190 : memref<1x128xi32, #tpu.memory_space<vmem>> -> memref<128xi32, #tpu.memory_space<vmem>>
          %dma_start3A_192 = arith.constant 0 : i32
          %dma_start3A_193 = tpu.memref_slice %arg4[%arg1, %dma_start3A_192] : memref<16x20096xi32, #tpu.memory_space<hbm>> -> memref<1x20096xi32, #tpu.memory_space<hbm>>
          %dma_start3A_194 = tpu.memref_squeeze %dma_start3A_193 : memref<1x20096xi32, #tpu.memory_space<hbm>> -> memref<20096xi32, #tpu.memory_space<hbm>>
          %dma_start3A_195 = tpu.memref_slice %dma_start3A_194[%mul3A_188] : memref<20096xi32, #tpu.memory_space<hbm>> -> memref<128xi32, #tpu.memory_space<hbm>>
          %dma_start3A_196 = arith.constant 0 : i32
          %dma_start3A_197 = tpu.memref_slice %arg7[%rem3A_171, %dma_start3A_196] : memref<3x128xi32, #tpu.memory_space<vmem>> -> memref<1x128xi32, #tpu.memory_space<vmem>>
          %dma_start3A_198 = tpu.memref_squeeze %dma_start3A_197 : memref<1x128xi32, #tpu.memory_space<vmem>> -> memref<128xi32, #tpu.memory_space<vmem>>
          %dma_start3A_199 = arith.constant 0 : i32
          %dma_start3A_200 = tpu.memref_slice %arg4[%arg1, %dma_start3A_199] : memref<16x20096xi32, #tpu.memory_space<hbm>> -> memref<1x20096xi32, #tpu.memory_space<hbm>>
          %dma_start3A_201 = tpu.memref_squeeze %dma_start3A_200 : memref<1x20096xi32, #tpu.memory_space<hbm>> -> memref<20096xi32, #tpu.memory_space<hbm>>
          %dma_start3A_202 = tpu.memref_slice %dma_start3A_201[%mul3A_188] : memref<20096xi32, #tpu.memory_space<hbm>> -> memref<128xi32, #tpu.memory_space<hbm>>
          tpu.enqueue_dma source(%dma_start3A_202 : memref<128xi32, #tpu.memory_space<hbm>>) target(%dma_start3A_198 : memref<128xi32, #tpu.memory_space<vmem>>) target_semaphore(%arg10 : memref<!tpu.dma_semaphore, #tpu.memory_space<semaphore_mem>>)
        } else {
        }
      }
      %scan3A_94 = arith.constant 156 : i32
      %dma_wait3A = arith.constant 2 : i32
      %dma_wait3A_95 = arith.constant 2 : i32
      %dma_wait3A_96 = arith.constant 0 : i32
      %dma_wait3A_97 = arith.constant 0 : i32
      %dma_wait3A_98 = tpu.memref_slice %arg8[%dma_wait3A, %dma_wait3A_96, %dma_wait3A_97] : memref<3x128x128xf32, #tpu.memory_space<vmem>> -> memref<1x128x128xf32, #tpu.memory_space<vmem>>
      %dma_wait3A_99 = tpu.memref_squeeze %dma_wait3A_98 : memref<1x128x128xf32, #tpu.memory_space<vmem>> -> memref<128x128xf32, #tpu.memory_space<vmem>>
      %dma_wait3A_100 = arith.constant 0 : i32
      %dma_wait3A_101 = tpu.memref_slice %arg7[%dma_wait3A_95, %dma_wait3A_100] : memref<3x128xi32, #tpu.memory_space<vmem>> -> memref<1x128xi32, #tpu.memory_space<vmem>>
      %dma_wait3A_102 = tpu.memref_squeeze %dma_wait3A_101 : memref<1x128xi32, #tpu.memory_space<vmem>> -> memref<128xi32, #tpu.memory_space<vmem>>
      %dma_wait3A_103 = arith.constant 0 : i32
      %dma_wait3A_104 = arith.constant 0 : i32
      %dma_wait3A_105 = tpu.memref_slice %arg9[%dma_wait3A_103, %dma_wait3A_104] : memref<10000x128xf32, #tpu.memory_space<vmem_shared>> -> memref<10000x128xf32, #tpu.memory_space<vmem_shared>>
      tpu.wait_indirect_dma semaphore(%arg11 : memref<!tpu.dma_semaphore, #tpu.memory_space<semaphore_mem>>) src(%dma_wait3A_99 : memref<128x128xf32, #tpu.memory_space<vmem>>) dst(%dma_wait3A_105 : memref<10000x128xf32, #tpu.memory_space<vmem_shared>>)
      %run_scoped3A = arith.constant 0 : i32
      "tpu.region"() ({
        %run_scoped3A_112 = tpu.sem_alloc : memref<!tpu.dma_semaphore, #tpu.memory_space<semaphore_mem>>
        %dma_start3A_113 = arith.constant 0 : i32
        %dma_start3A_114 = arith.constant 0 : i32
        %dma_start3A_115 = tpu.memref_slice %arg8[%run_scoped3A, %dma_start3A_113, %dma_start3A_114] : memref<3x128x128xf32, #tpu.memory_space<vmem>> -> memref<1x128x128xf32, #tpu.memory_space<vmem>>
        %dma_start3A_116 = tpu.memref_squeeze %dma_start3A_115 : memref<1x128x128xf32, #tpu.memory_space<vmem>> -> memref<128x128xf32, #tpu.memory_space<vmem>>
        %dma_start3A_117 = arith.constant 32 : i32
        %dma_start3A_118 = arith.constant 0 : i32
        %dma_start3A_119 = tpu.memref_slice %dma_start3A_116[%dma_start3A_117, %dma_start3A_118] : memref<128x128xf32, #tpu.memory_space<vmem>> -> memref<96x128xf32, #tpu.memory_space<vmem>>
        %dma_start3A_120 = arith.constant 0 : i32
        %dma_start3A_121 = arith.constant 0 : i32
        %dma_start3A_122 = tpu.memref_slice %arg5[%dma_start3A_120, %dma_start3A_121] : memref<10000x128xf32, #tpu.memory_space<hbm>> -> memref<96x128xf32, #tpu.memory_space<hbm>>
        %dma_start3A_123 = arith.constant 0 : i32
        %dma_start3A_124 = arith.constant 0 : i32
        %dma_start3A_125 = tpu.memref_slice %arg8[%run_scoped3A, %dma_start3A_123, %dma_start3A_124] : memref<3x128x128xf32, #tpu.memory_space<vmem>> -> memref<1x128x128xf32, #tpu.memory_space<vmem>>
        %dma_start3A_126 = tpu.memref_squeeze %dma_start3A_125 : memref<1x128x128xf32, #tpu.memory_space<vmem>> -> memref<128x128xf32, #tpu.memory_space<vmem>>
        %dma_start3A_127 = arith.constant 32 : i32
        %dma_start3A_128 = arith.constant 0 : i32
        %dma_start3A_129 = tpu.memref_slice %dma_start3A_126[%dma_start3A_127, %dma_start3A_128] : memref<128x128xf32, #tpu.memory_space<vmem>> -> memref<96x128xf32, #tpu.memory_space<vmem>>
        %dma_start3A_130 = arith.constant 0 : i32
        %dma_start3A_131 = arith.constant 0 : i32
        %dma_start3A_132 = tpu.memref_slice %arg5[%dma_start3A_130, %dma_start3A_131] : memref<10000x128xf32, #tpu.memory_space<hbm>> -> memref<96x128xf32, #tpu.memory_space<hbm>>
        tpu.enqueue_dma source(%dma_start3A_132 : memref<96x128xf32, #tpu.memory_space<hbm>>) target(%dma_start3A_129 : memref<96x128xf32, #tpu.memory_space<vmem>>) target_semaphore(%run_scoped3A_112 : memref<!tpu.dma_semaphore, #tpu.memory_space<semaphore_mem>>)
        %dma_wait3A_133 = arith.constant 0 : i32
        %dma_wait3A_134 = arith.constant 0 : i32
        %dma_wait3A_135 = tpu.memref_slice %arg8[%run_scoped3A, %dma_wait3A_133, %dma_wait3A_134] : memref<3x128x128xf32, #tpu.memory_space<vmem>> -> memref<1x128x128xf32, #tpu.memory_space<vmem>>
        %dma_wait3A_136 = tpu.memref_squeeze %dma_wait3A_135 : memref<1x128x128xf32, #tpu.memory_space<vmem>> -> memref<128x128xf32, #tpu.memory_space<vmem>>
        %dma_wait3A_137 = arith.constant 32 : i32
        %dma_wait3A_138 = arith.constant 0 : i32
        %dma_wait3A_139 = tpu.memref_slice %dma_wait3A_136[%dma_wait3A_137, %dma_wait3A_138] : memref<128x128xf32, #tpu.memory_space<vmem>> -> memref<96x128xf32, #tpu.memory_space<vmem>>
        %dma_wait3A_140 = arith.constant 0 : i32
        %dma_wait3A_141 = arith.constant 0 : i32
        %dma_wait3A_142 = tpu.memref_slice %arg5[%dma_wait3A_140, %dma_wait3A_141] : memref<10000x128xf32, #tpu.memory_space<hbm>> -> memref<96x128xf32, #tpu.memory_space<hbm>>
        %dma_wait3A_143 = arith.constant 0 : i32
        %dma_wait3A_144 = arith.constant 0 : i32
        %dma_wait3A_145 = tpu.memref_slice %arg8[%run_scoped3A, %dma_wait3A_143, %dma_wait3A_144] : memref<3x128x128xf32, #tpu.memory_space<vmem>> -> memref<1x128x128xf32, #tpu.memory_space<vmem>>
        %dma_wait3A_146 = tpu.memref_squeeze %dma_wait3A_145 : memref<1x128x128xf32, #tpu.memory_space<vmem>> -> memref<128x128xf32, #tpu.memory_space<vmem>>
        %dma_wait3A_147 = arith.constant 32 : i32
        %dma_wait3A_148 = arith.constant 0 : i32
        %dma_wait3A_149 = tpu.memref_slice %dma_wait3A_146[%dma_wait3A_147, %dma_wait3A_148] : memref<128x128xf32, #tpu.memory_space<vmem>> -> memref<96x128xf32, #tpu.memory_space<vmem>>
        %dma_wait3A_150 = arith.constant 0 : i32
        %dma_wait3A_151 = arith.constant 0 : i32
        %dma_wait3A_152 = tpu.memref_slice %arg5[%dma_wait3A_150, %dma_wait3A_151] : memref<10000x128xf32, #tpu.memory_space<hbm>> -> memref<96x128xf32, #tpu.memory_space<hbm>>
        tpu.wait_dma2 semaphore(%run_scoped3A_112 : memref<!tpu.dma_semaphore, #tpu.memory_space<semaphore_mem>>) src(%dma_wait3A_152 : memref<96x128xf32, #tpu.memory_space<hbm>>) dst(%dma_wait3A_149 : memref<96x128xf32, #tpu.memory_space<vmem>>)
        tpu.yield
      }) : () -> ()
      %add3A_106 = arith.constant 19968 : i32
      %add3A_107 = arith.addi %mul3A_6, %add3A_106 : i32
      %run_scoped3A_108 = arith.constant 0 : i32
      "tpu.region"() ({
        %run_scoped3A_112 = tpu.sem_alloc : memref<!tpu.dma_semaphore, #tpu.memory_space<semaphore_mem>>
        %dma_start3A_113 = arith.constant 0 : i32
        %dma_start3A_114 = arith.constant 0 : i32
        %dma_start3A_115 = tpu.memref_slice %arg8[%run_scoped3A_108, %dma_start3A_113, %dma_start3A_114] : memref<3x128x128xf32, #tpu.memory_space<vmem>> -> memref<1x128x128xf32, #tpu.memory_space<vmem>>
        %dma_start3A_116 = tpu.memref_squeeze %dma_start3A_115 : memref<1x128x128xf32, #tpu.memory_space<vmem>> -> memref<128x128xf32, #tpu.memory_space<vmem>>
        %dma_start3A_117 = arith.constant 0 : i32
        %dma_start3A_118 = arith.constant 0 : i32
        %dma_start3A_119 = tpu.memref_slice %dma_start3A_116[%dma_start3A_117, %dma_start3A_118] : memref<128x128xf32, #tpu.memory_space<vmem>> -> memref<32x128xf32, #tpu.memory_space<vmem>>
        %dma_start3A_120 = arith.constant 0 : i32
        %dma_start3A_121 = tpu.memref_slice %arg2[%add3A_107, %dma_start3A_120] : memref<320000x128xf32, #tpu.memory_space<hbm>> -> memref<32x128xf32, #tpu.memory_space<hbm>>
        %dma_start3A_122 = arith.constant 0 : i32
        %dma_start3A_123 = arith.constant 0 : i32
        %dma_start3A_124 = tpu.memref_slice %arg8[%run_scoped3A_108, %dma_start3A_122, %dma_start3A_123] : memref<3x128x128xf32, #tpu.memory_space<vmem>> -> memref<1x128x128xf32, #tpu.memory_space<vmem>>
        %dma_start3A_125 = tpu.memref_squeeze %dma_start3A_124 : memref<1x128x128xf32, #tpu.memory_space<vmem>> -> memref<128x128xf32, #tpu.memory_space<vmem>>
        %dma_start3A_126 = arith.constant 0 : i32
        %dma_start3A_127 = arith.constant 0 : i32
        %dma_start3A_128 = tpu.memref_slice %dma_start3A_125[%dma_start3A_126, %dma_start3A_127] : memref<128x128xf32, #tpu.memory_space<vmem>> -> memref<32x128xf32, #tpu.memory_space<vmem>>
        %dma_start3A_129 = arith.constant 0 : i32
        %dma_start3A_130 = tpu.memref_slice %arg2[%add3A_107, %dma_start3A_129] : memref<320000x128xf32, #tpu.memory_space<hbm>> -> memref<32x128xf32, #tpu.memory_space<hbm>>
        tpu.enqueue_dma source(%dma_start3A_130 : memref<32x128xf32, #tpu.memory_space<hbm>>) target(%dma_start3A_128 : memref<32x128xf32, #tpu.memory_space<vmem>>) target_semaphore(%run_scoped3A_112 : memref<!tpu.dma_semaphore, #tpu.memory_space<semaphore_mem>>)
        %dma_wait3A_131 = arith.constant 0 : i32
        %dma_wait3A_132 = arith.constant 0 : i32
        %dma_wait3A_133 = tpu.memref_slice %arg8[%run_scoped3A_108, %dma_wait3A_131, %dma_wait3A_132] : memref<3x128x128xf32, #tpu.memory_space<vmem>> -> memref<1x128x128xf32, #tpu.memory_space<vmem>>
        %dma_wait3A_134 = tpu.memref_squeeze %dma_wait3A_133 : memref<1x128x128xf32, #tpu.memory_space<vmem>> -> memref<128x128xf32, #tpu.memory_space<vmem>>
        %dma_wait3A_135 = arith.constant 0 : i32
        %dma_wait3A_136 = arith.constant 0 : i32
        %dma_wait3A_137 = tpu.memref_slice %dma_wait3A_134[%dma_wait3A_135, %dma_wait3A_136] : memref<128x128xf32, #tpu.memory_space<vmem>> -> memref<32x128xf32, #tpu.memory_space<vmem>>
        %dma_wait3A_138 = arith.constant 0 : i32
        %dma_wait3A_139 = tpu.memref_slice %arg2[%add3A_107, %dma_wait3A_138] : memref<320000x128xf32, #tpu.memory_space<hbm>> -> memref<32x128xf32, #tpu.memory_space<hbm>>
        %dma_wait3A_140 = arith.constant 0 : i32
        %dma_wait3A_141 = arith.constant 0 : i32
        %dma_wait3A_142 = tpu.memref_slice %arg8[%run_scoped3A_108, %dma_wait3A_140, %dma_wait3A_141] : memref<3x128x128xf32, #tpu.memory_space<vmem>> -> memref<1x128x128xf32, #tpu.memory_space<vmem>>
        %dma_wait3A_143 = tpu.memref_squeeze %dma_wait3A_142 : memref<1x128x128xf32, #tpu.memory_space<vmem>> -> memref<128x128xf32, #tpu.memory_space<vmem>>
        %dma_wait3A_144 = arith.constant 0 : i32
        %dma_wait3A_145 = arith.constant 0 : i32
        %dma_wait3A_146 = tpu.memref_slice %dma_wait3A_143[%dma_wait3A_144, %dma_wait3A_145] : memref<128x128xf32, #tpu.memory_space<vmem>> -> memref<32x128xf32, #tpu.memory_space<vmem>>
        %dma_wait3A_147 = arith.constant 0 : i32
        %dma_wait3A_148 = tpu.memref_slice %arg2[%add3A_107, %dma_wait3A_147] : memref<320000x128xf32, #tpu.memory_space<hbm>> -> memref<32x128xf32, #tpu.memory_space<hbm>>
        tpu.wait_dma2 semaphore(%run_scoped3A_112 : memref<!tpu.dma_semaphore, #tpu.memory_space<semaphore_mem>>) src(%dma_wait3A_148 : memref<32x128xf32, #tpu.memory_space<hbm>>) dst(%dma_wait3A_146 : memref<32x128xf32, #tpu.memory_space<vmem>>)
        tpu.yield
      }) : () -> ()
      %run_scoped3A_109 = arith.constant 0 : i32
      "tpu.region"() ({
        %run_scoped3A_112 = tpu.sem_alloc : memref<!tpu.dma_semaphore, #tpu.memory_space<semaphore_mem>>
        %dma_start3A_113 = arith.constant 0 : i32
        %dma_start3A_114 = tpu.memref_slice %arg7[%run_scoped3A_109, %dma_start3A_113] : memref<3x128xi32, #tpu.memory_space<vmem>> -> memref<1x128xi32, #tpu.memory_space<vmem>>
        %dma_start3A_115 = tpu.memref_squeeze %dma_start3A_114 : memref<1x128xi32, #tpu.memory_space<vmem>> -> memref<128xi32, #tpu.memory_space<vmem>>
        %dma_start3A_116 = arith.constant 0 : i32
        %dma_start3A_117 = tpu.memref_slice %arg4[%arg1, %dma_start3A_116] : memref<16x20096xi32, #tpu.memory_space<hbm>> -> memref<1x20096xi32, #tpu.memory_space<hbm>>
        %dma_start3A_118 = tpu.memref_squeeze %dma_start3A_117 : memref<1x20096xi32, #tpu.memory_space<hbm>> -> memref<20096xi32, #tpu.memory_space<hbm>>
        %dma_start3A_119 = arith.constant 19968 : i32
        %dma_start3A_120 = tpu.memref_slice %dma_start3A_118[%dma_start3A_119] : memref<20096xi32, #tpu.memory_space<hbm>> -> memref<128xi32, #tpu.memory_space<hbm>>
        %dma_start3A_121 = arith.constant 0 : i32
        %dma_start3A_122 = tpu.memref_slice %arg7[%run_scoped3A_109, %dma_start3A_121] : memref<3x128xi32, #tpu.memory_space<vmem>> -> memref<1x128xi32, #tpu.memory_space<vmem>>
        %dma_start3A_123 = tpu.memref_squeeze %dma_start3A_122 : memref<1x128xi32, #tpu.memory_space<vmem>> -> memref<128xi32, #tpu.memory_space<vmem>>
        %dma_start3A_124 = arith.constant 0 : i32
        %dma_start3A_125 = tpu.memref_slice %arg4[%arg1, %dma_start3A_124] : memref<16x20096xi32, #tpu.memory_space<hbm>> -> memref<1x20096xi32, #tpu.memory_space<hbm>>
        %dma_start3A_126 = tpu.memref_squeeze %dma_start3A_125 : memref<1x20096xi32, #tpu.memory_space<hbm>> -> memref<20096xi32, #tpu.memory_space<hbm>>
        %dma_start3A_127 = arith.constant 19968 : i32
        %dma_start3A_128 = tpu.memref_slice %dma_start3A_126[%dma_start3A_127] : memref<20096xi32, #tpu.memory_space<hbm>> -> memref<128xi32, #tpu.memory_space<hbm>>
        tpu.enqueue_dma source(%dma_start3A_128 : memref<128xi32, #tpu.memory_space<hbm>>) target(%dma_start3A_123 : memref<128xi32, #tpu.memory_space<vmem>>) target_semaphore(%run_scoped3A_112 : memref<!tpu.dma_semaphore, #tpu.memory_space<semaphore_mem>>)
        %dma_wait3A_129 = arith.constant 0 : i32
        %dma_wait3A_130 = tpu.memref_slice %arg7[%run_scoped3A_109, %dma_wait3A_129] : memref<3x128xi32, #tpu.memory_space<vmem>> -> memref<1x128xi32, #tpu.memory_space<vmem>>
        %dma_wait3A_131 = tpu.memref_squeeze %dma_wait3A_130 : memref<1x128xi32, #tpu.memory_space<vmem>> -> memref<128xi32, #tpu.memory_space<vmem>>
        %dma_wait3A_132 = arith.constant 0 : i32
        %dma_wait3A_133 = tpu.memref_slice %arg4[%arg1, %dma_wait3A_132] : memref<16x20096xi32, #tpu.memory_space<hbm>> -> memref<1x20096xi32, #tpu.memory_space<hbm>>
        %dma_wait3A_134 = tpu.memref_squeeze %dma_wait3A_133 : memref<1x20096xi32, #tpu.memory_space<hbm>> -> memref<20096xi32, #tpu.memory_space<hbm>>
        %dma_wait3A_135 = arith.constant 19968 : i32
        %dma_wait3A_136 = tpu.memref_slice %dma_wait3A_134[%dma_wait3A_135] : memref<20096xi32, #tpu.memory_space<hbm>> -> memref<128xi32, #tpu.memory_space<hbm>>
        %dma_wait3A_137 = arith.constant 0 : i32
        %dma_wait3A_138 = tpu.memref_slice %arg7[%run_scoped3A_109, %dma_wait3A_137] : memref<3x128xi32, #tpu.memory_space<vmem>> -> memref<1x128xi32, #tpu.memory_space<vmem>>
        %dma_wait3A_139 = tpu.memref_squeeze %dma_wait3A_138 : memref<1x128xi32, #tpu.memory_space<vmem>> -> memref<128xi32, #tpu.memory_space<vmem>>
        %dma_wait3A_140 = arith.constant 0 : i32
        %dma_wait3A_141 = tpu.memref_slice %arg4[%arg1, %dma_wait3A_140] : memref<16x20096xi32, #tpu.memory_space<hbm>> -> memref<1x20096xi32, #tpu.memory_space<hbm>>
        %dma_wait3A_142 = tpu.memref_squeeze %dma_wait3A_141 : memref<1x20096xi32, #tpu.memory_space<hbm>> -> memref<20096xi32, #tpu.memory_space<hbm>>
        %dma_wait3A_143 = arith.constant 19968 : i32
        %dma_wait3A_144 = tpu.memref_slice %dma_wait3A_142[%dma_wait3A_143] : memref<20096xi32, #tpu.memory_space<hbm>> -> memref<128xi32, #tpu.memory_space<hbm>>
        tpu.wait_dma2 semaphore(%run_scoped3A_112 : memref<!tpu.dma_semaphore, #tpu.memory_space<semaphore_mem>>) src(%dma_wait3A_144 : memref<128xi32, #tpu.memory_space<hbm>>) dst(%dma_wait3A_139 : memref<128xi32, #tpu.memory_space<vmem>>)
        tpu.yield
      }) : () -> ()
      %run_scoped3A_110 = arith.constant 0 : i32
      %run_scoped3A_111 = arith.constant 0 : i32
      "tpu.region"() ({
        %run_scoped3A_112 = tpu.sem_alloc : memref<!tpu.dma_semaphore, #tpu.memory_space<semaphore_mem>>
        %dma_start3A_113 = arith.constant 0 : i32
        %dma_start3A_114 = arith.constant 0 : i32
        %dma_start3A_115 = tpu.memref_slice %arg8[%run_scoped3A_110, %dma_start3A_113, %dma_start3A_114] : memref<3x128x128xf32, #tpu.memory_space<vmem>> -> memref<1x128x128xf32, #tpu.memory_space<vmem>>
        %dma_start3A_116 = tpu.memref_squeeze %dma_start3A_115 : memref<1x128x128xf32, #tpu.memory_space<vmem>> -> memref<128x128xf32, #tpu.memory_space<vmem>>
        %dma_start3A_117 = arith.constant 0 : i32
        %dma_start3A_118 = tpu.memref_slice %arg7[%run_scoped3A_111, %dma_start3A_117] : memref<3x128xi32, #tpu.memory_space<vmem>> -> memref<1x128xi32, #tpu.memory_space<vmem>>
        %dma_start3A_119 = tpu.memref_squeeze %dma_start3A_118 : memref<1x128xi32, #tpu.memory_space<vmem>> -> memref<128xi32, #tpu.memory_space<vmem>>
        %dma_start3A_120 = arith.constant 0 : i32
        %dma_start3A_121 = arith.constant 0 : i32
        %dma_start3A_122 = tpu.memref_slice %arg9[%dma_start3A_120, %dma_start3A_121] : memref<10000x128xf32, #tpu.memory_space<vmem_shared>> -> memref<10000x128xf32, #tpu.memory_space<vmem_shared>>
        tpu.enqueue_indirect_dma source(%dma_start3A_116 : memref<128x128xf32, #tpu.memory_space<vmem>>) target(%dma_start3A_122 : memref<10000x128xf32, #tpu.memory_space<vmem_shared>>) offsets(%dma_start3A_119 : memref<128xi32, #tpu.memory_space<vmem>>) semaphore(%run_scoped3A_112 : memref<!tpu.dma_semaphore, #tpu.memory_space<semaphore_mem>>) {add = true}
        %dma_wait3A_123 = arith.constant 0 : i32
        %dma_wait3A_124 = arith.constant 0 : i32
        %dma_wait3A_125 = tpu.memref_slice %arg8[%run_scoped3A_110, %dma_wait3A_123, %dma_wait3A_124] : memref<3x128x128xf32, #tpu.memory_space<vmem>> -> memref<1x128x128xf32, #tpu.memory_space<vmem>>
        %dma_wait3A_126 = tpu.memref_squeeze %dma_wait3A_125 : memref<1x128x128xf32, #tpu.memory_space<vmem>> -> memref<128x128xf32, #tpu.memory_space<vmem>>
        %dma_wait3A_127 = arith.constant 0 : i32
        %dma_wait3A_128 = tpu.memref_slice %arg7[%run_scoped3A_111, %dma_wait3A_127] : memref<3x128xi32, #tpu.memory_space<vmem>> -> memref<1x128xi32, #tpu.memory_space<vmem>>
        %dma_wait3A_129 = tpu.memref_squeeze %dma_wait3A_128 : memref<1x128xi32, #tpu.memory_space<vmem>> -> memref<128xi32, #tpu.memory_space<vmem>>
        %dma_wait3A_130 = arith.constant 0 : i32
        %dma_wait3A_131 = arith.constant 0 : i32
        %dma_wait3A_132 = tpu.memref_slice %arg9[%dma_wait3A_130, %dma_wait3A_131] : memref<10000x128xf32, #tpu.memory_space<vmem_shared>> -> memref<10000x128xf32, #tpu.memory_space<vmem_shared>>
        tpu.wait_indirect_dma semaphore(%run_scoped3A_112 : memref<!tpu.dma_semaphore, #tpu.memory_space<semaphore_mem>>) src(%dma_wait3A_126 : memref<128x128xf32, #tpu.memory_space<vmem>>) dst(%dma_wait3A_132 : memref<10000x128xf32, #tpu.memory_space<vmem_shared>>)
        tpu.yield
      }) : () -> ()
    } else {
    }
    %eq3A_12 = arith.constant 1 : i32
    %eq3A_13 = arith.cmpi eq, %arg0, %eq3A_12 : i32
    %convert_element_type3A_14 = arith.extui %eq3A_13 : i1 to i32
    %cond3A_15 = arith.constant 0 : i32
    %cond3A_16 = arith.cmpi ne, %convert_element_type3A_14, %cond3A_15 : i32
    scf.if %cond3A_16 {
      %add3A = arith.constant 0 : i32
      %add3A_28 = arith.addi %mul3A_6, %add3A : i32
      %dma_start3A = arith.constant 0 : i32
      %dma_start3A_29 = arith.constant 0 : i32
      %dma_start3A_30 = arith.constant 0 : i32
      %dma_start3A_31 = tpu.memref_slice %arg8[%dma_start3A, %dma_start3A_29, %dma_start3A_30] : memref<3x128x128xf32, #tpu.memory_space<vmem>> -> memref<1x128x128xf32, #tpu.memory_space<vmem>>
      %dma_start3A_32 = tpu.memref_squeeze %dma_start3A_31 : memref<1x128x128xf32, #tpu.memory_space<vmem>> -> memref<128x128xf32, #tpu.memory_space<vmem>>
      %dma_start3A_33 = arith.constant 0 : i32
      %dma_start3A_34 = tpu.memref_slice %arg3[%add3A_28, %dma_start3A_33] : memref<320000x128xf32, #tpu.memory_space<hbm>> -> memref<128x128xf32, #tpu.memory_space<hbm>>
      %dma_start3A_35 = arith.constant 0 : i32
      %dma_start3A_36 = arith.constant 0 : i32
      %dma_start3A_37 = tpu.memref_slice %arg8[%dma_start3A, %dma_start3A_35, %dma_start3A_36] : memref<3x128x128xf32, #tpu.memory_space<vmem>> -> memref<1x128x128xf32, #tpu.memory_space<vmem>>
      %dma_start3A_38 = tpu.memref_squeeze %dma_start3A_37 : memref<1x128x128xf32, #tpu.memory_space<vmem>> -> memref<128x128xf32, #tpu.memory_space<vmem>>
      %dma_start3A_39 = arith.constant 0 : i32
      %dma_start3A_40 = tpu.memref_slice %arg3[%add3A_28, %dma_start3A_39] : memref<320000x128xf32, #tpu.memory_space<hbm>> -> memref<128x128xf32, #tpu.memory_space<hbm>>
      tpu.enqueue_dma source(%dma_start3A_40 : memref<128x128xf32, #tpu.memory_space<hbm>>) target(%dma_start3A_38 : memref<128x128xf32, #tpu.memory_space<vmem>>) target_semaphore(%arg10 : memref<!tpu.dma_semaphore, #tpu.memory_space<semaphore_mem>>)
      %dma_start3A_41 = arith.constant 0 : i32
      %dma_start3A_42 = arith.constant 0 : i32
      %dma_start3A_43 = tpu.memref_slice %arg7[%dma_start3A_41, %dma_start3A_42] : memref<3x128xi32, #tpu.memory_space<vmem>> -> memref<1x128xi32, #tpu.memory_space<vmem>>
      %dma_start3A_44 = tpu.memref_squeeze %dma_start3A_43 : memref<1x128xi32, #tpu.memory_space<vmem>> -> memref<128xi32, #tpu.memory_space<vmem>>
      %dma_start3A_45 = arith.constant 0 : i32
      %dma_start3A_46 = tpu.memref_slice %arg4[%arg1, %dma_start3A_45] : memref<16x20096xi32, #tpu.memory_space<hbm>> -> memref<1x20096xi32, #tpu.memory_space<hbm>>
      %dma_start3A_47 = tpu.memref_squeeze %dma_start3A_46 : memref<1x20096xi32, #tpu.memory_space<hbm>> -> memref<20096xi32, #tpu.memory_space<hbm>>
      %dma_start3A_48 = arith.constant 0 : i32
      %dma_start3A_49 = tpu.memref_slice %dma_start3A_47[%dma_start3A_48] : memref<20096xi32, #tpu.memory_space<hbm>> -> memref<128xi32, #tpu.memory_space<hbm>>
      %dma_start3A_50 = arith.constant 0 : i32
      %dma_start3A_51 = tpu.memref_slice %arg7[%dma_start3A_41, %dma_start3A_50] : memref<3x128xi32, #tpu.memory_space<vmem>> -> memref<1x128xi32, #tpu.memory_space<vmem>>
      %dma_start3A_52 = tpu.memref_squeeze %dma_start3A_51 : memref<1x128xi32, #tpu.memory_space<vmem>> -> memref<128xi32, #tpu.memory_space<vmem>>
      %dma_start3A_53 = arith.constant 0 : i32
      %dma_start3A_54 = tpu.memref_slice %arg4[%arg1, %dma_start3A_53] : memref<16x20096xi32, #tpu.memory_space<hbm>> -> memref<1x20096xi32, #tpu.memory_space<hbm>>
      %dma_start3A_55 = tpu.memref_squeeze %dma_start3A_54 : memref<1x20096xi32, #tpu.memory_space<hbm>> -> memref<20096xi32, #tpu.memory_space<hbm>>
      %dma_start3A_56 = arith.constant 0 : i32
      %dma_start3A_57 = tpu.memref_slice %dma_start3A_55[%dma_start3A_56] : memref<20096xi32, #tpu.memory_space<hbm>> -> memref<128xi32, #tpu.memory_space<hbm>>
      tpu.enqueue_dma source(%dma_start3A_57 : memref<128xi32, #tpu.memory_space<hbm>>) target(%dma_start3A_52 : memref<128xi32, #tpu.memory_space<vmem>>) target_semaphore(%arg10 : memref<!tpu.dma_semaphore, #tpu.memory_space<semaphore_mem>>)
      %add3A_58 = arith.constant 128 : i32
      %add3A_59 = arith.addi %mul3A_6, %add3A_58 : i32
      %dma_start3A_60 = arith.constant 1 : i32
      %dma_start3A_61 = arith.constant 0 : i32
      %dma_start3A_62 = arith.constant 0 : i32
      %dma_start3A_63 = tpu.memref_slice %arg8[%dma_start3A_60, %dma_start3A_61, %dma_start3A_62] : memref<3x128x128xf32, #tpu.memory_space<vmem>> -> memref<1x128x128xf32, #tpu.memory_space<vmem>>
      %dma_start3A_64 = tpu.memref_squeeze %dma_start3A_63 : memref<1x128x128xf32, #tpu.memory_space<vmem>> -> memref<128x128xf32, #tpu.memory_space<vmem>>
      %dma_start3A_65 = arith.constant 0 : i32
      %dma_start3A_66 = tpu.memref_slice %arg3[%add3A_59, %dma_start3A_65] : memref<320000x128xf32, #tpu.memory_space<hbm>> -> memref<128x128xf32, #tpu.memory_space<hbm>>
      %dma_start3A_67 = arith.constant 0 : i32
      %dma_start3A_68 = arith.constant 0 : i32
      %dma_start3A_69 = tpu.memref_slice %arg8[%dma_start3A_60, %dma_start3A_67, %dma_start3A_68] : memref<3x128x128xf32, #tpu.memory_space<vmem>> -> memref<1x128x128xf32, #tpu.memory_space<vmem>>
      %dma_start3A_70 = tpu.memref_squeeze %dma_start3A_69 : memref<1x128x128xf32, #tpu.memory_space<vmem>> -> memref<128x128xf32, #tpu.memory_space<vmem>>
      %dma_start3A_71 = arith.constant 0 : i32
      %dma_start3A_72 = tpu.memref_slice %arg3[%add3A_59, %dma_start3A_71] : memref<320000x128xf32, #tpu.memory_space<hbm>> -> memref<128x128xf32, #tpu.memory_space<hbm>>
      tpu.enqueue_dma source(%dma_start3A_72 : memref<128x128xf32, #tpu.memory_space<hbm>>) target(%dma_start3A_70 : memref<128x128xf32, #tpu.memory_space<vmem>>) target_semaphore(%arg10 : memref<!tpu.dma_semaphore, #tpu.memory_space<semaphore_mem>>)
      %dma_start3A_73 = arith.constant 1 : i32
      %dma_start3A_74 = arith.constant 0 : i32
      %dma_start3A_75 = tpu.memref_slice %arg7[%dma_start3A_73, %dma_start3A_74] : memref<3x128xi32, #tpu.memory_space<vmem>> -> memref<1x128xi32, #tpu.memory_space<vmem>>
      %dma_start3A_76 = tpu.memref_squeeze %dma_start3A_75 : memref<1x128xi32, #tpu.memory_space<vmem>> -> memref<128xi32, #tpu.memory_space<vmem>>
      %dma_start3A_77 = arith.constant 0 : i32
      %dma_start3A_78 = tpu.memref_slice %arg4[%arg1, %dma_start3A_77] : memref<16x20096xi32, #tpu.memory_space<hbm>> -> memref<1x20096xi32, #tpu.memory_space<hbm>>
      %dma_start3A_79 = tpu.memref_squeeze %dma_start3A_78 : memref<1x20096xi32, #tpu.memory_space<hbm>> -> memref<20096xi32, #tpu.memory_space<hbm>>
      %dma_start3A_80 = arith.constant 128 : i32
      %dma_start3A_81 = tpu.memref_slice %dma_start3A_79[%dma_start3A_80] : memref<20096xi32, #tpu.memory_space<hbm>> -> memref<128xi32, #tpu.memory_space<hbm>>
      %dma_start3A_82 = arith.constant 0 : i32
      %dma_start3A_83 = tpu.memref_slice %arg7[%dma_start3A_73, %dma_start3A_82] : memref<3x128xi32, #tpu.memory_space<vmem>> -> memref<1x128xi32, #tpu.memory_space<vmem>>
      %dma_start3A_84 = tpu.memref_squeeze %dma_start3A_83 : memref<1x128xi32, #tpu.memory_space<vmem>> -> memref<128xi32, #tpu.memory_space<vmem>>
      %dma_start3A_85 = arith.constant 0 : i32
      %dma_start3A_86 = tpu.memref_slice %arg4[%arg1, %dma_start3A_85] : memref<16x20096xi32, #tpu.memory_space<hbm>> -> memref<1x20096xi32, #tpu.memory_space<hbm>>
      %dma_start3A_87 = tpu.memref_squeeze %dma_start3A_86 : memref<1x20096xi32, #tpu.memory_space<hbm>> -> memref<20096xi32, #tpu.memory_space<hbm>>
      %dma_start3A_88 = arith.constant 128 : i32
      %dma_start3A_89 = tpu.memref_slice %dma_start3A_87[%dma_start3A_88] : memref<20096xi32, #tpu.memory_space<hbm>> -> memref<128xi32, #tpu.memory_space<hbm>>
      tpu.enqueue_dma source(%dma_start3A_89 : memref<128xi32, #tpu.memory_space<hbm>>) target(%dma_start3A_84 : memref<128xi32, #tpu.memory_space<vmem>>) target_semaphore(%arg10 : memref<!tpu.dma_semaphore, #tpu.memory_space<semaphore_mem>>)
      %scan3A = arith.constant 0 : i32
      %scan3A_90 = arith.constant 0 : i32
      %scan3A_91 = arith.constant 156 : i32
      %scan3A_92 = arith.addi %scan3A_90, %scan3A_91 : i32
      %scan3A_93 = arith.constant 1 : i32
      scf.for %scan3A_112 = %scan3A_90 to %scan3A_92 step %scan3A_93  : i32 {
        %rem3A = arith.constant 3 : i32
        %rem3A_113 = arith.remsi %scan3A_112, %rem3A : i32
        %mul3A_114 = arith.constant 128 : i32
        %mul3A_115 = arith.muli %scan3A_112, %mul3A_114 : i32
        %add3A_116 = arith.addi %mul3A_6, %mul3A_115 : i32
        %dma_wait3A_117 = arith.constant 0 : i32
        %dma_wait3A_118 = arith.constant 0 : i32
        %dma_wait3A_119 = tpu.memref_slice %arg8[%rem3A_113, %dma_wait3A_117, %dma_wait3A_118] : memref<3x128x128xf32, #tpu.memory_space<vmem>> -> memref<1x128x128xf32, #tpu.memory_space<vmem>>
        %dma_wait3A_120 = tpu.memref_squeeze %dma_wait3A_119 : memref<1x128x128xf32, #tpu.memory_space<vmem>> -> memref<128x128xf32, #tpu.memory_space<vmem>>
        %dma_wait3A_121 = arith.constant 0 : i32
        %dma_wait3A_122 = tpu.memref_slice %arg3[%add3A_116, %dma_wait3A_121] : memref<320000x128xf32, #tpu.memory_space<hbm>> -> memref<128x128xf32, #tpu.memory_space<hbm>>
        %dma_wait3A_123 = arith.constant 0 : i32
        %dma_wait3A_124 = arith.constant 0 : i32
        %dma_wait3A_125 = tpu.memref_slice %arg8[%rem3A_113, %dma_wait3A_123, %dma_wait3A_124] : memref<3x128x128xf32, #tpu.memory_space<vmem>> -> memref<1x128x128xf32, #tpu.memory_space<vmem>>
        %dma_wait3A_126 = tpu.memref_squeeze %dma_wait3A_125 : memref<1x128x128xf32, #tpu.memory_space<vmem>> -> memref<128x128xf32, #tpu.memory_space<vmem>>
        %dma_wait3A_127 = arith.constant 0 : i32
        %dma_wait3A_128 = tpu.memref_slice %arg3[%add3A_116, %dma_wait3A_127] : memref<320000x128xf32, #tpu.memory_space<hbm>> -> memref<128x128xf32, #tpu.memory_space<hbm>>
        tpu.wait_dma2 semaphore(%arg10 : memref<!tpu.dma_semaphore, #tpu.memory_space<semaphore_mem>>) src(%dma_wait3A_128 : memref<128x128xf32, #tpu.memory_space<hbm>>) dst(%dma_wait3A_126 : memref<128x128xf32, #tpu.memory_space<vmem>>)
        %mul3A_129 = arith.constant 128 : i32
        %mul3A_130 = arith.muli %scan3A_112, %mul3A_129 : i32
        %dma_wait3A_131 = arith.constant 0 : i32
        %dma_wait3A_132 = tpu.memref_slice %arg7[%rem3A_113, %dma_wait3A_131] : memref<3x128xi32, #tpu.memory_space<vmem>> -> memref<1x128xi32, #tpu.memory_space<vmem>>
        %dma_wait3A_133 = tpu.memref_squeeze %dma_wait3A_132 : memref<1x128xi32, #tpu.memory_space<vmem>> -> memref<128xi32, #tpu.memory_space<vmem>>
        %dma_wait3A_134 = arith.constant 0 : i32
        %dma_wait3A_135 = tpu.memref_slice %arg4[%arg1, %dma_wait3A_134] : memref<16x20096xi32, #tpu.memory_space<hbm>> -> memref<1x20096xi32, #tpu.memory_space<hbm>>
        %dma_wait3A_136 = tpu.memref_squeeze %dma_wait3A_135 : memref<1x20096xi32, #tpu.memory_space<hbm>> -> memref<20096xi32, #tpu.memory_space<hbm>>
        %dma_wait3A_137 = tpu.memref_slice %dma_wait3A_136[%mul3A_130] : memref<20096xi32, #tpu.memory_space<hbm>> -> memref<128xi32, #tpu.memory_space<hbm>>
        %dma_wait3A_138 = arith.constant 0 : i32
        %dma_wait3A_139 = tpu.memref_slice %arg7[%rem3A_113, %dma_wait3A_138] : memref<3x128xi32, #tpu.memory_space<vmem>> -> memref<1x128xi32, #tpu.memory_space<vmem>>
        %dma_wait3A_140 = tpu.memref_squeeze %dma_wait3A_139 : memref<1x128xi32, #tpu.memory_space<vmem>> -> memref<128xi32, #tpu.memory_space<vmem>>
        %dma_wait3A_141 = arith.constant 0 : i32
        %dma_wait3A_142 = tpu.memref_slice %arg4[%arg1, %dma_wait3A_141] : memref<16x20096xi32, #tpu.memory_space<hbm>> -> memref<1x20096xi32, #tpu.memory_space<hbm>>
        %dma_wait3A_143 = tpu.memref_squeeze %dma_wait3A_142 : memref<1x20096xi32, #tpu.memory_space<hbm>> -> memref<20096xi32, #tpu.memory_space<hbm>>
        %dma_wait3A_144 = tpu.memref_slice %dma_wait3A_143[%mul3A_130] : memref<20096xi32, #tpu.memory_space<hbm>> -> memref<128xi32, #tpu.memory_space<hbm>>
        tpu.wait_dma2 semaphore(%arg10 : memref<!tpu.dma_semaphore, #tpu.memory_space<semaphore_mem>>) src(%dma_wait3A_144 : memref<128xi32, #tpu.memory_space<hbm>>) dst(%dma_wait3A_140 : memref<128xi32, #tpu.memory_space<vmem>>)
        %dma_start3A_145 = arith.constant 0 : i32
        %dma_start3A_146 = arith.constant 0 : i32
        %dma_start3A_147 = tpu.memref_slice %arg8[%rem3A_113, %dma_start3A_145, %dma_start3A_146] : memref<3x128x128xf32, #tpu.memory_space<vmem>> -> memref<1x128x128xf32, #tpu.memory_space<vmem>>
        %dma_start3A_148 = tpu.memref_squeeze %dma_start3A_147 : memref<1x128x128xf32, #tpu.memory_space<vmem>> -> memref<128x128xf32, #tpu.memory_space<vmem>>
        %dma_start3A_149 = arith.constant 0 : i32
        %dma_start3A_150 = tpu.memref_slice %arg7[%rem3A_113, %dma_start3A_149] : memref<3x128xi32, #tpu.memory_space<vmem>> -> memref<1x128xi32, #tpu.memory_space<vmem>>
        %dma_start3A_151 = tpu.memref_squeeze %dma_start3A_150 : memref<1x128xi32, #tpu.memory_space<vmem>> -> memref<128xi32, #tpu.memory_space<vmem>>
        %dma_start3A_152 = arith.constant 0 : i32
        %dma_start3A_153 = arith.constant 0 : i32
        %dma_start3A_154 = tpu.memref_slice %arg9[%dma_start3A_152, %dma_start3A_153] : memref<10000x128xf32, #tpu.memory_space<vmem_shared>> -> memref<10000x128xf32, #tpu.memory_space<vmem_shared>>
        tpu.enqueue_indirect_dma source(%dma_start3A_148 : memref<128x128xf32, #tpu.memory_space<vmem>>) target(%dma_start3A_154 : memref<10000x128xf32, #tpu.memory_space<vmem_shared>>) offsets(%dma_start3A_151 : memref<128xi32, #tpu.memory_space<vmem>>) semaphore(%arg11 : memref<!tpu.dma_semaphore, #tpu.memory_space<semaphore_mem>>) {add = true}
        %ge3A = arith.constant 1 : i32
        %ge3A_155 = arith.cmpi sge, %scan3A_112, %ge3A : i32
        %convert_element_type3A_156 = arith.extui %ge3A_155 : i1 to i32
        %cond3A_157 = arith.constant 0 : i32
        %cond3A_158 = arith.cmpi ne, %convert_element_type3A_156, %cond3A_157 : i32
        scf.if %cond3A_158 {
          %add3A_166 = arith.constant 2 : i32
          %add3A_167 = arith.addi %scan3A_112, %add3A_166 : i32
          %rem3A_168 = arith.constant 3 : i32
          %rem3A_169 = arith.remsi %add3A_167, %rem3A_168 : i32
          %dma_wait3A_170 = arith.constant 0 : i32
          %dma_wait3A_171 = arith.constant 0 : i32
          %dma_wait3A_172 = tpu.memref_slice %arg8[%rem3A_169, %dma_wait3A_170, %dma_wait3A_171] : memref<3x128x128xf32, #tpu.memory_space<vmem>> -> memref<1x128x128xf32, #tpu.memory_space<vmem>>
          %dma_wait3A_173 = tpu.memref_squeeze %dma_wait3A_172 : memref<1x128x128xf32, #tpu.memory_space<vmem>> -> memref<128x128xf32, #tpu.memory_space<vmem>>
          %dma_wait3A_174 = arith.constant 0 : i32
          %dma_wait3A_175 = tpu.memref_slice %arg7[%rem3A_169, %dma_wait3A_174] : memref<3x128xi32, #tpu.memory_space<vmem>> -> memref<1x128xi32, #tpu.memory_space<vmem>>
          %dma_wait3A_176 = tpu.memref_squeeze %dma_wait3A_175 : memref<1x128xi32, #tpu.memory_space<vmem>> -> memref<128xi32, #tpu.memory_space<vmem>>
          %dma_wait3A_177 = arith.constant 0 : i32
          %dma_wait3A_178 = arith.constant 0 : i32
          %dma_wait3A_179 = tpu.memref_slice %arg9[%dma_wait3A_177, %dma_wait3A_178] : memref<10000x128xf32, #tpu.memory_space<vmem_shared>> -> memref<10000x128xf32, #tpu.memory_space<vmem_shared>>
          tpu.wait_indirect_dma semaphore(%arg11 : memref<!tpu.dma_semaphore, #tpu.memory_space<semaphore_mem>>) src(%dma_wait3A_173 : memref<128x128xf32, #tpu.memory_space<vmem>>) dst(%dma_wait3A_179 : memref<10000x128xf32, #tpu.memory_space<vmem_shared>>)
        } else {
        }
        %add3A_159 = arith.constant 2 : i32
        %add3A_160 = arith.addi %scan3A_112, %add3A_159 : i32
        %lt3A_161 = arith.constant 156 : i32
        %lt3A_162 = arith.cmpi slt, %add3A_160, %lt3A_161 : i32
        %convert_element_type3A_163 = arith.extui %lt3A_162 : i1 to i32
        %cond3A_164 = arith.constant 0 : i32
        %cond3A_165 = arith.cmpi ne, %convert_element_type3A_163, %cond3A_164 : i32
        scf.if %cond3A_165 {
          %add3A_166 = arith.constant 2 : i32
          %add3A_167 = arith.addi %scan3A_112, %add3A_166 : i32
          %add3A_168 = arith.constant 2 : i32
          %add3A_169 = arith.addi %scan3A_112, %add3A_168 : i32
          %rem3A_170 = arith.constant 3 : i32
          %rem3A_171 = arith.remsi %add3A_169, %rem3A_170 : i32
          %mul3A_172 = arith.constant 128 : i32
          %mul3A_173 = arith.muli %add3A_167, %mul3A_172 : i32
          %add3A_174 = arith.addi %mul3A_6, %mul3A_173 : i32
          %dma_start3A_175 = arith.constant 0 : i32
          %dma_start3A_176 = arith.constant 0 : i32
          %dma_start3A_177 = tpu.memref_slice %arg8[%rem3A_171, %dma_start3A_175, %dma_start3A_176] : memref<3x128x128xf32, #tpu.memory_space<vmem>> -> memref<1x128x128xf32, #tpu.memory_space<vmem>>
          %dma_start3A_178 = tpu.memref_squeeze %dma_start3A_177 : memref<1x128x128xf32, #tpu.memory_space<vmem>> -> memref<128x128xf32, #tpu.memory_space<vmem>>
          %dma_start3A_179 = arith.constant 0 : i32
          %dma_start3A_180 = tpu.memref_slice %arg3[%add3A_174, %dma_start3A_179] : memref<320000x128xf32, #tpu.memory_space<hbm>> -> memref<128x128xf32, #tpu.memory_space<hbm>>
          %dma_start3A_181 = arith.constant 0 : i32
          %dma_start3A_182 = arith.constant 0 : i32
          %dma_start3A_183 = tpu.memref_slice %arg8[%rem3A_171, %dma_start3A_181, %dma_start3A_182] : memref<3x128x128xf32, #tpu.memory_space<vmem>> -> memref<1x128x128xf32, #tpu.memory_space<vmem>>
          %dma_start3A_184 = tpu.memref_squeeze %dma_start3A_183 : memref<1x128x128xf32, #tpu.memory_space<vmem>> -> memref<128x128xf32, #tpu.memory_space<vmem>>
          %dma_start3A_185 = arith.constant 0 : i32
          %dma_start3A_186 = tpu.memref_slice %arg3[%add3A_174, %dma_start3A_185] : memref<320000x128xf32, #tpu.memory_space<hbm>> -> memref<128x128xf32, #tpu.memory_space<hbm>>
          tpu.enqueue_dma source(%dma_start3A_186 : memref<128x128xf32, #tpu.memory_space<hbm>>) target(%dma_start3A_184 : memref<128x128xf32, #tpu.memory_space<vmem>>) target_semaphore(%arg10 : memref<!tpu.dma_semaphore, #tpu.memory_space<semaphore_mem>>)
          %mul3A_187 = arith.constant 128 : i32
          %mul3A_188 = arith.muli %add3A_167, %mul3A_187 : i32
          %dma_start3A_189 = arith.constant 0 : i32
          %dma_start3A_190 = tpu.memref_slice %arg7[%rem3A_171, %dma_start3A_189] : memref<3x128xi32, #tpu.memory_space<vmem>> -> memref<1x128xi32, #tpu.memory_space<vmem>>
          %dma_start3A_191 = tpu.memref_squeeze %dma_start3A_190 : memref<1x128xi32, #tpu.memory_space<vmem>> -> memref<128xi32, #tpu.memory_space<vmem>>
          %dma_start3A_192 = arith.constant 0 : i32
          %dma_start3A_193 = tpu.memref_slice %arg4[%arg1, %dma_start3A_192] : memref<16x20096xi32, #tpu.memory_space<hbm>> -> memref<1x20096xi32, #tpu.memory_space<hbm>>
          %dma_start3A_194 = tpu.memref_squeeze %dma_start3A_193 : memref<1x20096xi32, #tpu.memory_space<hbm>> -> memref<20096xi32, #tpu.memory_space<hbm>>
          %dma_start3A_195 = tpu.memref_slice %dma_start3A_194[%mul3A_188] : memref<20096xi32, #tpu.memory_space<hbm>> -> memref<128xi32, #tpu.memory_space<hbm>>
          %dma_start3A_196 = arith.constant 0 : i32
          %dma_start3A_197 = tpu.memref_slice %arg7[%rem3A_171, %dma_start3A_196] : memref<3x128xi32, #tpu.memory_space<vmem>> -> memref<1x128xi32, #tpu.memory_space<vmem>>
          %dma_start3A_198 = tpu.memref_squeeze %dma_start3A_197 : memref<1x128xi32, #tpu.memory_space<vmem>> -> memref<128xi32, #tpu.memory_space<vmem>>
          %dma_start3A_199 = arith.constant 0 : i32
          %dma_start3A_200 = tpu.memref_slice %arg4[%arg1, %dma_start3A_199] : memref<16x20096xi32, #tpu.memory_space<hbm>> -> memref<1x20096xi32, #tpu.memory_space<hbm>>
          %dma_start3A_201 = tpu.memref_squeeze %dma_start3A_200 : memref<1x20096xi32, #tpu.memory_space<hbm>> -> memref<20096xi32, #tpu.memory_space<hbm>>
          %dma_start3A_202 = tpu.memref_slice %dma_start3A_201[%mul3A_188] : memref<20096xi32, #tpu.memory_space<hbm>> -> memref<128xi32, #tpu.memory_space<hbm>>
          tpu.enqueue_dma source(%dma_start3A_202 : memref<128xi32, #tpu.memory_space<hbm>>) target(%dma_start3A_198 : memref<128xi32, #tpu.memory_space<vmem>>) target_semaphore(%arg10 : memref<!tpu.dma_semaphore, #tpu.memory_space<semaphore_mem>>)
        } else {
        }
      }
      %scan3A_94 = arith.constant 156 : i32
      %dma_wait3A = arith.constant 2 : i32
      %dma_wait3A_95 = arith.constant 2 : i32
      %dma_wait3A_96 = arith.constant 0 : i32
      %dma_wait3A_97 = arith.constant 0 : i32
      %dma_wait3A_98 = tpu.memref_slice %arg8[%dma_wait3A, %dma_wait3A_96, %dma_wait3A_97] : memref<3x128x128xf32, #tpu.memory_space<vmem>> -> memref<1x128x128xf32, #tpu.memory_space<vmem>>
      %dma_wait3A_99 = tpu.memref_squeeze %dma_wait3A_98 : memref<1x128x128xf32, #tpu.memory_space<vmem>> -> memref<128x128xf32, #tpu.memory_space<vmem>>
      %dma_wait3A_100 = arith.constant 0 : i32
      %dma_wait3A_101 = tpu.memref_slice %arg7[%dma_wait3A_95, %dma_wait3A_100] : memref<3x128xi32, #tpu.memory_space<vmem>> -> memref<1x128xi32, #tpu.memory_space<vmem>>
      %dma_wait3A_102 = tpu.memref_squeeze %dma_wait3A_101 : memref<1x128xi32, #tpu.memory_space<vmem>> -> memref<128xi32, #tpu.memory_space<vmem>>
      %dma_wait3A_103 = arith.constant 0 : i32
      %dma_wait3A_104 = arith.constant 0 : i32
      %dma_wait3A_105 = tpu.memref_slice %arg9[%dma_wait3A_103, %dma_wait3A_104] : memref<10000x128xf32, #tpu.memory_space<vmem_shared>> -> memref<10000x128xf32, #tpu.memory_space<vmem_shared>>
      tpu.wait_indirect_dma semaphore(%arg11 : memref<!tpu.dma_semaphore, #tpu.memory_space<semaphore_mem>>) src(%dma_wait3A_99 : memref<128x128xf32, #tpu.memory_space<vmem>>) dst(%dma_wait3A_105 : memref<10000x128xf32, #tpu.memory_space<vmem_shared>>)
      %run_scoped3A = arith.constant 0 : i32
      "tpu.region"() ({
        %run_scoped3A_112 = tpu.sem_alloc : memref<!tpu.dma_semaphore, #tpu.memory_space<semaphore_mem>>
        %dma_start3A_113 = arith.constant 0 : i32
        %dma_start3A_114 = arith.constant 0 : i32
        %dma_start3A_115 = tpu.memref_slice %arg8[%run_scoped3A, %dma_start3A_113, %dma_start3A_114] : memref<3x128x128xf32, #tpu.memory_space<vmem>> -> memref<1x128x128xf32, #tpu.memory_space<vmem>>
        %dma_start3A_116 = tpu.memref_squeeze %dma_start3A_115 : memref<1x128x128xf32, #tpu.memory_space<vmem>> -> memref<128x128xf32, #tpu.memory_space<vmem>>
        %dma_start3A_117 = arith.constant 32 : i32
        %dma_start3A_118 = arith.constant 0 : i32
        %dma_start3A_119 = tpu.memref_slice %dma_start3A_116[%dma_start3A_117, %dma_start3A_118] : memref<128x128xf32, #tpu.memory_space<vmem>> -> memref<96x128xf32, #tpu.memory_space<vmem>>
        %dma_start3A_120 = arith.constant 0 : i32
        %dma_start3A_121 = arith.constant 0 : i32
        %dma_start3A_122 = tpu.memref_slice %arg5[%dma_start3A_120, %dma_start3A_121] : memref<10000x128xf32, #tpu.memory_space<hbm>> -> memref<96x128xf32, #tpu.memory_space<hbm>>
        %dma_start3A_123 = arith.constant 0 : i32
        %dma_start3A_124 = arith.constant 0 : i32
        %dma_start3A_125 = tpu.memref_slice %arg8[%run_scoped3A, %dma_start3A_123, %dma_start3A_124] : memref<3x128x128xf32, #tpu.memory_space<vmem>> -> memref<1x128x128xf32, #tpu.memory_space<vmem>>
        %dma_start3A_126 = tpu.memref_squeeze %dma_start3A_125 : memref<1x128x128xf32, #tpu.memory_space<vmem>> -> memref<128x128xf32, #tpu.memory_space<vmem>>
        %dma_start3A_127 = arith.constant 32 : i32
        %dma_start3A_128 = arith.constant 0 : i32
        %dma_start3A_129 = tpu.memref_slice %dma_start3A_126[%dma_start3A_127, %dma_start3A_128] : memref<128x128xf32, #tpu.memory_space<vmem>> -> memref<96x128xf32, #tpu.memory_space<vmem>>
        %dma_start3A_130 = arith.constant 0 : i32
        %dma_start3A_131 = arith.constant 0 : i32
        %dma_start3A_132 = tpu.memref_slice %arg5[%dma_start3A_130, %dma_start3A_131] : memref<10000x128xf32, #tpu.memory_space<hbm>> -> memref<96x128xf32, #tpu.memory_space<hbm>>
        tpu.enqueue_dma source(%dma_start3A_132 : memref<96x128xf32, #tpu.memory_space<hbm>>) target(%dma_start3A_129 : memref<96x128xf32, #tpu.memory_space<vmem>>) target_semaphore(%run_scoped3A_112 : memref<!tpu.dma_semaphore, #tpu.memory_space<semaphore_mem>>)
        %dma_wait3A_133 = arith.constant 0 : i32
        %dma_wait3A_134 = arith.constant 0 : i32
        %dma_wait3A_135 = tpu.memref_slice %arg8[%run_scoped3A, %dma_wait3A_133, %dma_wait3A_134] : memref<3x128x128xf32, #tpu.memory_space<vmem>> -> memref<1x128x128xf32, #tpu.memory_space<vmem>>
        %dma_wait3A_136 = tpu.memref_squeeze %dma_wait3A_135 : memref<1x128x128xf32, #tpu.memory_space<vmem>> -> memref<128x128xf32, #tpu.memory_space<vmem>>
        %dma_wait3A_137 = arith.constant 32 : i32
        %dma_wait3A_138 = arith.constant 0 : i32
        %dma_wait3A_139 = tpu.memref_slice %dma_wait3A_136[%dma_wait3A_137, %dma_wait3A_138] : memref<128x128xf32, #tpu.memory_space<vmem>> -> memref<96x128xf32, #tpu.memory_space<vmem>>
        %dma_wait3A_140 = arith.constant 0 : i32
        %dma_wait3A_141 = arith.constant 0 : i32
        %dma_wait3A_142 = tpu.memref_slice %arg5[%dma_wait3A_140, %dma_wait3A_141] : memref<10000x128xf32, #tpu.memory_space<hbm>> -> memref<96x128xf32, #tpu.memory_space<hbm>>
        %dma_wait3A_143 = arith.constant 0 : i32
        %dma_wait3A_144 = arith.constant 0 : i32
        %dma_wait3A_145 = tpu.memref_slice %arg8[%run_scoped3A, %dma_wait3A_143, %dma_wait3A_144] : memref<3x128x128xf32, #tpu.memory_space<vmem>> -> memref<1x128x128xf32, #tpu.memory_space<vmem>>
        %dma_wait3A_146 = tpu.memref_squeeze %dma_wait3A_145 : memref<1x128x128xf32, #tpu.memory_space<vmem>> -> memref<128x128xf32, #tpu.memory_space<vmem>>
        %dma_wait3A_147 = arith.constant 32 : i32
        %dma_wait3A_148 = arith.constant 0 : i32
        %dma_wait3A_149 = tpu.memref_slice %dma_wait3A_146[%dma_wait3A_147, %dma_wait3A_148] : memref<128x128xf32, #tpu.memory_space<vmem>> -> memref<96x128xf32, #tpu.memory_space<vmem>>
        %dma_wait3A_150 = arith.constant 0 : i32
        %dma_wait3A_151 = arith.constant 0 : i32
        %dma_wait3A_152 = tpu.memref_slice %arg5[%dma_wait3A_150, %dma_wait3A_151] : memref<10000x128xf32, #tpu.memory_space<hbm>> -> memref<96x128xf32, #tpu.memory_space<hbm>>
        tpu.wait_dma2 semaphore(%run_scoped3A_112 : memref<!tpu.dma_semaphore, #tpu.memory_space<semaphore_mem>>) src(%dma_wait3A_152 : memref<96x128xf32, #tpu.memory_space<hbm>>) dst(%dma_wait3A_149 : memref<96x128xf32, #tpu.memory_space<vmem>>)
        tpu.yield
      }) : () -> ()
      %add3A_106 = arith.constant 19968 : i32
      %add3A_107 = arith.addi %mul3A_6, %add3A_106 : i32
      %run_scoped3A_108 = arith.constant 0 : i32
      "tpu.region"() ({
        %run_scoped3A_112 = tpu.sem_alloc : memref<!tpu.dma_semaphore, #tpu.memory_space<semaphore_mem>>
        %dma_start3A_113 = arith.constant 0 : i32
        %dma_start3A_114 = arith.constant 0 : i32
        %dma_start3A_115 = tpu.memref_slice %arg8[%run_scoped3A_108, %dma_start3A_113, %dma_start3A_114] : memref<3x128x128xf32, #tpu.memory_space<vmem>> -> memref<1x128x128xf32, #tpu.memory_space<vmem>>
        %dma_start3A_116 = tpu.memref_squeeze %dma_start3A_115 : memref<1x128x128xf32, #tpu.memory_space<vmem>> -> memref<128x128xf32, #tpu.memory_space<vmem>>
        %dma_start3A_117 = arith.constant 0 : i32
        %dma_start3A_118 = arith.constant 0 : i32
        %dma_start3A_119 = tpu.memref_slice %dma_start3A_116[%dma_start3A_117, %dma_start3A_118] : memref<128x128xf32, #tpu.memory_space<vmem>> -> memref<32x128xf32, #tpu.memory_space<vmem>>
        %dma_start3A_120 = arith.constant 0 : i32
        %dma_start3A_121 = tpu.memref_slice %arg3[%add3A_107, %dma_start3A_120] : memref<320000x128xf32, #tpu.memory_space<hbm>> -> memref<32x128xf32, #tpu.memory_space<hbm>>
        %dma_start3A_122 = arith.constant 0 : i32
        %dma_start3A_123 = arith.constant 0 : i32
        %dma_start3A_124 = tpu.memref_slice %arg8[%run_scoped3A_108, %dma_start3A_122, %dma_start3A_123] : memref<3x128x128xf32, #tpu.memory_space<vmem>> -> memref<1x128x128xf32, #tpu.memory_space<vmem>>
        %dma_start3A_125 = tpu.memref_squeeze %dma_start3A_124 : memref<1x128x128xf32, #tpu.memory_space<vmem>> -> memref<128x128xf32, #tpu.memory_space<vmem>>
        %dma_start3A_126 = arith.constant 0 : i32
        %dma_start3A_127 = arith.constant 0 : i32
        %dma_start3A_128 = tpu.memref_slice %dma_start3A_125[%dma_start3A_126, %dma_start3A_127] : memref<128x128xf32, #tpu.memory_space<vmem>> -> memref<32x128xf32, #tpu.memory_space<vmem>>
        %dma_start3A_129 = arith.constant 0 : i32
        %dma_start3A_130 = tpu.memref_slice %arg3[%add3A_107, %dma_start3A_129] : memref<320000x128xf32, #tpu.memory_space<hbm>> -> memref<32x128xf32, #tpu.memory_space<hbm>>
        tpu.enqueue_dma source(%dma_start3A_130 : memref<32x128xf32, #tpu.memory_space<hbm>>) target(%dma_start3A_128 : memref<32x128xf32, #tpu.memory_space<vmem>>) target_semaphore(%run_scoped3A_112 : memref<!tpu.dma_semaphore, #tpu.memory_space<semaphore_mem>>)
        %dma_wait3A_131 = arith.constant 0 : i32
        %dma_wait3A_132 = arith.constant 0 : i32
        %dma_wait3A_133 = tpu.memref_slice %arg8[%run_scoped3A_108, %dma_wait3A_131, %dma_wait3A_132] : memref<3x128x128xf32, #tpu.memory_space<vmem>> -> memref<1x128x128xf32, #tpu.memory_space<vmem>>
        %dma_wait3A_134 = tpu.memref_squeeze %dma_wait3A_133 : memref<1x128x128xf32, #tpu.memory_space<vmem>> -> memref<128x128xf32, #tpu.memory_space<vmem>>
        %dma_wait3A_135 = arith.constant 0 : i32
        %dma_wait3A_136 = arith.constant 0 : i32
        %dma_wait3A_137 = tpu.memref_slice %dma_wait3A_134[%dma_wait3A_135, %dma_wait3A_136] : memref<128x128xf32, #tpu.memory_space<vmem>> -> memref<32x128xf32, #tpu.memory_space<vmem>>
        %dma_wait3A_138 = arith.constant 0 : i32
        %dma_wait3A_139 = tpu.memref_slice %arg3[%add3A_107, %dma_wait3A_138] : memref<320000x128xf32, #tpu.memory_space<hbm>> -> memref<32x128xf32, #tpu.memory_space<hbm>>
        %dma_wait3A_140 = arith.constant 0 : i32
        %dma_wait3A_141 = arith.constant 0 : i32
        %dma_wait3A_142 = tpu.memref_slice %arg8[%run_scoped3A_108, %dma_wait3A_140, %dma_wait3A_141] : memref<3x128x128xf32, #tpu.memory_space<vmem>> -> memref<1x128x128xf32, #tpu.memory_space<vmem>>
        %dma_wait3A_143 = tpu.memref_squeeze %dma_wait3A_142 : memref<1x128x128xf32, #tpu.memory_space<vmem>> -> memref<128x128xf32, #tpu.memory_space<vmem>>
        %dma_wait3A_144 = arith.constant 0 : i32
        %dma_wait3A_145 = arith.constant 0 : i32
        %dma_wait3A_146 = tpu.memref_slice %dma_wait3A_143[%dma_wait3A_144, %dma_wait3A_145] : memref<128x128xf32, #tpu.memory_space<vmem>> -> memref<32x128xf32, #tpu.memory_space<vmem>>
        %dma_wait3A_147 = arith.constant 0 : i32
        %dma_wait3A_148 = tpu.memref_slice %arg3[%add3A_107, %dma_wait3A_147] : memref<320000x128xf32, #tpu.memory_space<hbm>> -> memref<32x128xf32, #tpu.memory_space<hbm>>
        tpu.wait_dma2 semaphore(%run_scoped3A_112 : memref<!tpu.dma_semaphore, #tpu.memory_space<semaphore_mem>>) src(%dma_wait3A_148 : memref<32x128xf32, #tpu.memory_space<hbm>>) dst(%dma_wait3A_146 : memref<32x128xf32, #tpu.memory_space<vmem>>)
        tpu.yield
      }) : () -> ()
      %run_scoped3A_109 = arith.constant 0 : i32
      "tpu.region"() ({
        %run_scoped3A_112 = tpu.sem_alloc : memref<!tpu.dma_semaphore, #tpu.memory_space<semaphore_mem>>
        %dma_start3A_113 = arith.constant 0 : i32
        %dma_start3A_114 = tpu.memref_slice %arg7[%run_scoped3A_109, %dma_start3A_113] : memref<3x128xi32, #tpu.memory_space<vmem>> -> memref<1x128xi32, #tpu.memory_space<vmem>>
        %dma_start3A_115 = tpu.memref_squeeze %dma_start3A_114 : memref<1x128xi32, #tpu.memory_space<vmem>> -> memref<128xi32, #tpu.memory_space<vmem>>
        %dma_start3A_116 = arith.constant 0 : i32
        %dma_start3A_117 = tpu.memref_slice %arg4[%arg1, %dma_start3A_116] : memref<16x20096xi32, #tpu.memory_space<hbm>> -> memref<1x20096xi32, #tpu.memory_space<hbm>>
        %dma_start3A_118 = tpu.memref_squeeze %dma_start3A_117 : memref<1x20096xi32, #tpu.memory_space<hbm>> -> memref<20096xi32, #tpu.memory_space<hbm>>
        %dma_start3A_119 = arith.constant 19968 : i32
        %dma_start3A_120 = tpu.memref_slice %dma_start3A_118[%dma_start3A_119] : memref<20096xi32, #tpu.memory_space<hbm>> -> memref<128xi32, #tpu.memory_space<hbm>>
        %dma_start3A_121 = arith.constant 0 : i32
        %dma_start3A_122 = tpu.memref_slice %arg7[%run_scoped3A_109, %dma_start3A_121] : memref<3x128xi32, #tpu.memory_space<vmem>> -> memref<1x128xi32, #tpu.memory_space<vmem>>
        %dma_start3A_123 = tpu.memref_squeeze %dma_start3A_122 : memref<1x128xi32, #tpu.memory_space<vmem>> -> memref<128xi32, #tpu.memory_space<vmem>>
        %dma_start3A_124 = arith.constant 0 : i32
        %dma_start3A_125 = tpu.memref_slice %arg4[%arg1, %dma_start3A_124] : memref<16x20096xi32, #tpu.memory_space<hbm>> -> memref<1x20096xi32, #tpu.memory_space<hbm>>
        %dma_start3A_126 = tpu.memref_squeeze %dma_start3A_125 : memref<1x20096xi32, #tpu.memory_space<hbm>> -> memref<20096xi32, #tpu.memory_space<hbm>>
        %dma_start3A_127 = arith.constant 19968 : i32
        %dma_start3A_128 = tpu.memref_slice %dma_start3A_126[%dma_start3A_127] : memref<20096xi32, #tpu.memory_space<hbm>> -> memref<128xi32, #tpu.memory_space<hbm>>
        tpu.enqueue_dma source(%dma_start3A_128 : memref<128xi32, #tpu.memory_space<hbm>>) target(%dma_start3A_123 : memref<128xi32, #tpu.memory_space<vmem>>) target_semaphore(%run_scoped3A_112 : memref<!tpu.dma_semaphore, #tpu.memory_space<semaphore_mem>>)
        %dma_wait3A_129 = arith.constant 0 : i32
        %dma_wait3A_130 = tpu.memref_slice %arg7[%run_scoped3A_109, %dma_wait3A_129] : memref<3x128xi32, #tpu.memory_space<vmem>> -> memref<1x128xi32, #tpu.memory_space<vmem>>
        %dma_wait3A_131 = tpu.memref_squeeze %dma_wait3A_130 : memref<1x128xi32, #tpu.memory_space<vmem>> -> memref<128xi32, #tpu.memory_space<vmem>>
        %dma_wait3A_132 = arith.constant 0 : i32
        %dma_wait3A_133 = tpu.memref_slice %arg4[%arg1, %dma_wait3A_132] : memref<16x20096xi32, #tpu.memory_space<hbm>> -> memref<1x20096xi32, #tpu.memory_space<hbm>>
        %dma_wait3A_134 = tpu.memref_squeeze %dma_wait3A_133 : memref<1x20096xi32, #tpu.memory_space<hbm>> -> memref<20096xi32, #tpu.memory_space<hbm>>
        %dma_wait3A_135 = arith.constant 19968 : i32
        %dma_wait3A_136 = tpu.memref_slice %dma_wait3A_134[%dma_wait3A_135] : memref<20096xi32, #tpu.memory_space<hbm>> -> memref<128xi32, #tpu.memory_space<hbm>>
        %dma_wait3A_137 = arith.constant 0 : i32
        %dma_wait3A_138 = tpu.memref_slice %arg7[%run_scoped3A_109, %dma_wait3A_137] : memref<3x128xi32, #tpu.memory_space<vmem>> -> memref<1x128xi32, #tpu.memory_space<vmem>>
        %dma_wait3A_139 = tpu.memref_squeeze %dma_wait3A_138 : memref<1x128xi32, #tpu.memory_space<vmem>> -> memref<128xi32, #tpu.memory_space<vmem>>
        %dma_wait3A_140 = arith.constant 0 : i32
        %dma_wait3A_141 = tpu.memref_slice %arg4[%arg1, %dma_wait3A_140] : memref<16x20096xi32, #tpu.memory_space<hbm>> -> memref<1x20096xi32, #tpu.memory_space<hbm>>
        %dma_wait3A_142 = tpu.memref_squeeze %dma_wait3A_141 : memref<1x20096xi32, #tpu.memory_space<hbm>> -> memref<20096xi32, #tpu.memory_space<hbm>>
        %dma_wait3A_143 = arith.constant 19968 : i32
        %dma_wait3A_144 = tpu.memref_slice %dma_wait3A_142[%dma_wait3A_143] : memref<20096xi32, #tpu.memory_space<hbm>> -> memref<128xi32, #tpu.memory_space<hbm>>
        tpu.wait_dma2 semaphore(%run_scoped3A_112 : memref<!tpu.dma_semaphore, #tpu.memory_space<semaphore_mem>>) src(%dma_wait3A_144 : memref<128xi32, #tpu.memory_space<hbm>>) dst(%dma_wait3A_139 : memref<128xi32, #tpu.memory_space<vmem>>)
        tpu.yield
      }) : () -> ()
      %run_scoped3A_110 = arith.constant 0 : i32
      %run_scoped3A_111 = arith.constant 0 : i32
      "tpu.region"() ({
        %run_scoped3A_112 = tpu.sem_alloc : memref<!tpu.dma_semaphore, #tpu.memory_space<semaphore_mem>>
        %dma_start3A_113 = arith.constant 0 : i32
        %dma_start3A_114 = arith.constant 0 : i32
        %dma_start3A_115 = tpu.memref_slice %arg8[%run_scoped3A_110, %dma_start3A_113, %dma_start3A_114] : memref<3x128x128xf32, #tpu.memory_space<vmem>> -> memref<1x128x128xf32, #tpu.memory_space<vmem>>
        %dma_start3A_116 = tpu.memref_squeeze %dma_start3A_115 : memref<1x128x128xf32, #tpu.memory_space<vmem>> -> memref<128x128xf32, #tpu.memory_space<vmem>>
        %dma_start3A_117 = arith.constant 0 : i32
        %dma_start3A_118 = tpu.memref_slice %arg7[%run_scoped3A_111, %dma_start3A_117] : memref<3x128xi32, #tpu.memory_space<vmem>> -> memref<1x128xi32, #tpu.memory_space<vmem>>
        %dma_start3A_119 = tpu.memref_squeeze %dma_start3A_118 : memref<1x128xi32, #tpu.memory_space<vmem>> -> memref<128xi32, #tpu.memory_space<vmem>>
        %dma_start3A_120 = arith.constant 0 : i32
        %dma_start3A_121 = arith.constant 0 : i32
        %dma_start3A_122 = tpu.memref_slice %arg9[%dma_start3A_120, %dma_start3A_121] : memref<10000x128xf32, #tpu.memory_space<vmem_shared>> -> memref<10000x128xf32, #tpu.memory_space<vmem_shared>>
        tpu.enqueue_indirect_dma source(%dma_start3A_116 : memref<128x128xf32, #tpu.memory_space<vmem>>) target(%dma_start3A_122 : memref<10000x128xf32, #tpu.memory_space<vmem_shared>>) offsets(%dma_start3A_119 : memref<128xi32, #tpu.memory_space<vmem>>) semaphore(%run_scoped3A_112 : memref<!tpu.dma_semaphore, #tpu.memory_space<semaphore_mem>>) {add = true}
        %dma_wait3A_123 = arith.constant 0 : i32
        %dma_wait3A_124 = arith.constant 0 : i32
        %dma_wait3A_125 = tpu.memref_slice %arg8[%run_scoped3A_110, %dma_wait3A_123, %dma_wait3A_124] : memref<3x128x128xf32, #tpu.memory_space<vmem>> -> memref<1x128x128xf32, #tpu.memory_space<vmem>>
        %dma_wait3A_126 = tpu.memref_squeeze %dma_wait3A_125 : memref<1x128x128xf32, #tpu.memory_space<vmem>> -> memref<128x128xf32, #tpu.memory_space<vmem>>
        %dma_wait3A_127 = arith.constant 0 : i32
        %dma_wait3A_128 = tpu.memref_slice %arg7[%run_scoped3A_111, %dma_wait3A_127] : memref<3x128xi32, #tpu.memory_space<vmem>> -> memref<1x128xi32, #tpu.memory_space<vmem>>
        %dma_wait3A_129 = tpu.memref_squeeze %dma_wait3A_128 : memref<1x128xi32, #tpu.memory_space<vmem>> -> memref<128xi32, #tpu.memory_space<vmem>>
        %dma_wait3A_130 = arith.constant 0 : i32
        %dma_wait3A_131 = arith.constant 0 : i32
        %dma_wait3A_132 = tpu.memref_slice %arg9[%dma_wait3A_130, %dma_wait3A_131] : memref<10000x128xf32, #tpu.memory_space<vmem_shared>> -> memref<10000x128xf32, #tpu.memory_space<vmem_shared>>
        tpu.wait_indirect_dma semaphore(%run_scoped3A_112 : memref<!tpu.dma_semaphore, #tpu.memory_space<semaphore_mem>>) src(%dma_wait3A_126 : memref<128x128xf32, #tpu.memory_space<vmem>>) dst(%dma_wait3A_132 : memref<10000x128xf32, #tpu.memory_space<vmem_shared>>)
        tpu.yield
      }) : () -> ()
    } else {
    }
    %barrier3A_17 = arith.constant 0 : index
    tpu.barrier barrier_id(%barrier3A_17)
    %lt3A_18 = arith.constant 15 : i32
    %lt3A_19 = arith.cmpi slt, %arg1, %lt3A_18 : i32
    %convert_element_type3A_20 = arith.extui %lt3A_19 : i1 to i32
    %cond3A_21 = arith.constant 0 : i32
    %cond3A_22 = arith.cmpi ne, %convert_element_type3A_20, %cond3A_21 : i32
    scf.if %cond3A_22 {
      %mul3A_28 = arith.constant 640 : i32
      %mul3A_29 = arith.muli %arg1, %mul3A_28 : i32
      %mul3A_30 = arith.constant 640 : i32
      %mul3A_31 = arith.muli %arg1, %mul3A_30 : i32
      "tpu.region"() ({
        %run_scoped3A = tpu.sem_alloc : memref<!tpu.dma_semaphore, #tpu.memory_space<semaphore_mem>>
        %dma_start3A = arith.constant 0 : i32
        %dma_start3A_32 = arith.constant 0 : i32
        %dma_start3A_33 = tpu.memref_slice %arg6[%arg0, %dma_start3A, %dma_start3A_32] : memref<2x10000x128xf32, #tpu.memory_space<hbm>> -> memref<1x10000x128xf32, #tpu.memory_space<hbm>>
        %dma_start3A_34 = tpu.memref_squeeze %dma_start3A_33 : memref<1x10000x128xf32, #tpu.memory_space<hbm>> -> memref<10000x128xf32, #tpu.memory_space<hbm>>
        %dma_start3A_35 = arith.constant 0 : i32
        %dma_start3A_36 = tpu.memref_slice %dma_start3A_34[%mul3A_31, %dma_start3A_35] : memref<10000x128xf32, #tpu.memory_space<hbm>> -> memref<640x128xf32, #tpu.memory_space<hbm>>
        %dma_start3A_37 = arith.constant 0 : i32
        %dma_start3A_38 = tpu.memref_slice %arg9[%mul3A_29, %dma_start3A_37] : memref<10000x128xf32, #tpu.memory_space<vmem_shared>> -> memref<640x128xf32, #tpu.memory_space<vmem_shared>>
        tpu.enqueue_dma source(%dma_start3A_38 : memref<640x128xf32, #tpu.memory_space<vmem_shared>>) target(%dma_start3A_36 : memref<640x128xf32, #tpu.memory_space<hbm>>) target_semaphore(%run_scoped3A : memref<!tpu.dma_semaphore, #tpu.memory_space<semaphore_mem>>)
        %dma_wait3A = arith.constant 0 : i32
        %dma_wait3A_39 = arith.constant 0 : i32
        %dma_wait3A_40 = tpu.memref_slice %arg6[%arg0, %dma_wait3A, %dma_wait3A_39] : memref<2x10000x128xf32, #tpu.memory_space<hbm>> -> memref<1x10000x128xf32, #tpu.memory_space<hbm>>
        %dma_wait3A_41 = tpu.memref_squeeze %dma_wait3A_40 : memref<1x10000x128xf32, #tpu.memory_space<hbm>> -> memref<10000x128xf32, #tpu.memory_space<hbm>>
        %dma_wait3A_42 = arith.constant 0 : i32
        %dma_wait3A_43 = tpu.memref_slice %dma_wait3A_41[%mul3A_31, %dma_wait3A_42] : memref<10000x128xf32, #tpu.memory_space<hbm>> -> memref<640x128xf32, #tpu.memory_space<hbm>>
        %dma_wait3A_44 = arith.constant 0 : i32
        %dma_wait3A_45 = tpu.memref_slice %arg9[%mul3A_29, %dma_wait3A_44] : memref<10000x128xf32, #tpu.memory_space<vmem_shared>> -> memref<640x128xf32, #tpu.memory_space<vmem_shared>>
        tpu.wait_dma2 semaphore(%run_scoped3A : memref<!tpu.dma_semaphore, #tpu.memory_space<semaphore_mem>>) src(%dma_wait3A_45 : memref<640x128xf32, #tpu.memory_space<vmem_shared>>) dst(%dma_wait3A_43 : memref<640x128xf32, #tpu.memory_space<hbm>>)
        tpu.yield
      }) : () -> ()
    } else {
    }
    %eq3A_23 = arith.constant 15 : i32
    %eq3A_24 = arith.cmpi eq, %arg1, %eq3A_23 : i32
    %convert_element_type3A_25 = arith.extui %eq3A_24 : i1 to i32
    %cond3A_26 = arith.constant 0 : i32
    %cond3A_27 = arith.cmpi ne, %convert_element_type3A_25, %cond3A_26 : i32
    scf.if %cond3A_27 {
      %mul3A_28 = arith.constant 640 : i32
      %mul3A_29 = arith.muli %arg1, %mul3A_28 : i32
      %mul3A_30 = arith.constant 640 : i32
      %mul3A_31 = arith.muli %arg1, %mul3A_30 : i32
      "tpu.region"() ({
        %run_scoped3A = tpu.sem_alloc : memref<!tpu.dma_semaphore, #tpu.memory_space<semaphore_mem>>
        %dma_start3A = arith.constant 0 : i32
        %dma_start3A_32 = arith.constant 0 : i32
        %dma_start3A_33 = tpu.memref_slice %arg6[%arg0, %dma_start3A, %dma_start3A_32] : memref<2x10000x128xf32, #tpu.memory_space<hbm>> -> memref<1x10000x128xf32, #tpu.memory_space<hbm>>
        %dma_start3A_34 = tpu.memref_squeeze %dma_start3A_33 : memref<1x10000x128xf32, #tpu.memory_space<hbm>> -> memref<10000x128xf32, #tpu.memory_space<hbm>>
        %dma_start3A_35 = arith.constant 0 : i32
        %dma_start3A_36 = tpu.memref_slice %dma_start3A_34[%mul3A_31, %dma_start3A_35] : memref<10000x128xf32, #tpu.memory_space<hbm>> -> memref<400x128xf32, #tpu.memory_space<hbm>>
        %dma_start3A_37 = arith.constant 0 : i32
        %dma_start3A_38 = tpu.memref_slice %arg9[%mul3A_29, %dma_start3A_37] : memref<10000x128xf32, #tpu.memory_space<vmem_shared>> -> memref<400x128xf32, #tpu.memory_space<vmem_shared>>
        tpu.enqueue_dma source(%dma_start3A_38 : memref<400x128xf32, #tpu.memory_space<vmem_shared>>) target(%dma_start3A_36 : memref<400x128xf32, #tpu.memory_space<hbm>>) target_semaphore(%run_scoped3A : memref<!tpu.dma_semaphore, #tpu.memory_space<semaphore_mem>>)
        %dma_wait3A = arith.constant 0 : i32
        %dma_wait3A_39 = arith.constant 0 : i32
        %dma_wait3A_40 = tpu.memref_slice %arg6[%arg0, %dma_wait3A, %dma_wait3A_39] : memref<2x10000x128xf32, #tpu.memory_space<hbm>> -> memref<1x10000x128xf32, #tpu.memory_space<hbm>>
        %dma_wait3A_41 = tpu.memref_squeeze %dma_wait3A_40 : memref<1x10000x128xf32, #tpu.memory_space<hbm>> -> memref<10000x128xf32, #tpu.memory_space<hbm>>
        %dma_wait3A_42 = arith.constant 0 : i32
        %dma_wait3A_43 = tpu.memref_slice %dma_wait3A_41[%mul3A_31, %dma_wait3A_42] : memref<10000x128xf32, #tpu.memory_space<hbm>> -> memref<400x128xf32, #tpu.memory_space<hbm>>
        %dma_wait3A_44 = arith.constant 0 : i32
        %dma_wait3A_45 = tpu.memref_slice %arg9[%mul3A_29, %dma_wait3A_44] : memref<10000x128xf32, #tpu.memory_space<vmem_shared>> -> memref<400x128xf32, #tpu.memory_space<vmem_shared>>
        tpu.wait_dma2 semaphore(%run_scoped3A : memref<!tpu.dma_semaphore, #tpu.memory_space<semaphore_mem>>) src(%dma_wait3A_45 : memref<400x128xf32, #tpu.memory_space<vmem_shared>>) dst(%dma_wait3A_43 : memref<400x128xf32, #tpu.memory_space<hbm>>)
        tpu.yield
      }) : () -> ()
    } else {
    }
    return
  }
}

module attributes {stable_mosaic.version = 14 : i64} {
  func.func @_edge_body(%arg0: i32, %arg1: memref<2000x128xf32, #tpu.memory_space<vmem>>, %arg2: memref<2000x128xf32, #tpu.memory_space<vmem>>, %arg3: memref<2000x128xf32, #tpu.memory_space<vmem>>, %arg4: memref<2000x128xf32, #tpu.memory_space<vmem>>, %arg5: memref<2000x128xf32, #tpu.memory_space<vmem>>) attributes {dimension_semantics = [#tpu.dimension_semantics<arbitrary>], iteration_bounds = array<i64: 160>, scalar_prefetch = 0 : i64, scratch_operands = 0 : i64, tpu.core_type = #tpu.core_type<tc>, window_params = [{transform_indices = @transform_0, window_bounds = array<i64: 2000, 128>}, {transform_indices = @transform_1, window_bounds = array<i64: 2000, 128>}, {transform_indices = @transform_2, window_bounds = array<i64: 2000, 128>}, {transform_indices = @transform_3, window_bounds = array<i64: 2000, 128>}, {transform_indices = @transform_4, window_bounds = array<i64: 2000, 128>}]} {
    %get3A = arith.constant 0 : index
    %get3A_0 = arith.constant 0 : index
    %get3A_1 = vector.load %arg1[%get3A, %get3A_0] : memref<2000x128xf32, #tpu.memory_space<vmem>>, vector<2000x128xf32>
    %get3A_2 = arith.constant 0 : index
    %get3A_3 = arith.constant 0 : index
    %get3A_4 = vector.load %arg2[%get3A_2, %get3A_3] : memref<2000x128xf32, #tpu.memory_space<vmem>>, vector<2000x128xf32>
    %mul3A = arith.mulf %get3A_1, %get3A_4 : vector<2000x128xf32>
    %iota3A = tpu.iota {dimensions = array<i32: 0>} : vector<128x4xi32>
    %jit3A = arith.constant 32 : i32
    %div3A = vector.broadcast %jit3A : i32 to vector<128x4xi32>
    %div3A_5 = arith.divsi %iota3A, %div3A : vector<128x4xi32>
    %sign3A = arith.constant 0 : i32
    %sign3A_6 = vector.broadcast %sign3A : i32 to vector<128x4xi32>
    %sign3A_7 = arith.cmpi sgt, %iota3A, %sign3A_6 : vector<128x4xi32>
    %sign3A_8 = arith.extui %sign3A_7 : vector<128x4xi1> to vector<128x4xi32>
    %sign3A_9 = arith.constant 0 : i32
    %sign3A_10 = vector.broadcast %sign3A_9 : i32 to vector<128x4xi32>
    %sign3A_11 = arith.cmpi slt, %iota3A, %sign3A_10 : vector<128x4xi32>
    %sign3A_12 = arith.extui %sign3A_11 : vector<128x4xi1> to vector<128x4xi32>
    %sign3A_13 = arith.subi %sign3A_8, %sign3A_12 : vector<128x4xi32>
    %sign3A_14 = arith.constant 0 : i32
    %sign3A_15 = arith.cmpi sgt, %jit3A, %sign3A_14 : i32
    %sign3A_16 = arith.extui %sign3A_15 : i1 to i32
    %sign3A_17 = arith.constant 0 : i32
    %sign3A_18 = arith.cmpi slt, %jit3A, %sign3A_17 : i32
    %sign3A_19 = arith.extui %sign3A_18 : i1 to i32
    %sign3A_20 = arith.subi %sign3A_16, %sign3A_19 : i32
    %ne3A = vector.broadcast %sign3A_20 : i32 to vector<128x4xi32>
    %ne3A_21 = arith.cmpi ne, %sign3A_13, %ne3A : vector<128x4xi32>
    %rem3A = vector.broadcast %jit3A : i32 to vector<128x4xi32>
    %rem3A_22 = arith.remsi %iota3A, %rem3A : vector<128x4xi32>
    %ne3A_23 = arith.constant 0 : i32
    %ne3A_24 = vector.broadcast %ne3A_23 : i32 to vector<128x4xi32>
    %ne3A_25 = arith.cmpi ne, %rem3A_22, %ne3A_24 : vector<128x4xi32>
    %and3A = arith.andi %ne3A_21, %ne3A_25 : vector<128x4xi1>
    %sub3A = arith.constant 1 : i32
    %sub3A_26 = vector.broadcast %sub3A : i32 to vector<128x4xi32>
    %sub3A_27 = arith.subi %div3A_5, %sub3A_26 : vector<128x4xi32>
    %select_n3A = arith.select %and3A, %sub3A_27, %div3A_5 : vector<128x4xi1>, vector<128x4xi32>
    %iota3A_28 = tpu.iota {dimensions = array<i32: 1>} : vector<128x4xi32>
    %eq3A = arith.cmpi eq, %select_n3A, %iota3A_28 : vector<128x4xi32>
    %convert_element_type3A = arith.extui %eq3A : vector<128x4xi1> to vector<128x4xi32>
    %convert_element_type3A_29 = arith.sitofp %convert_element_type3A : vector<128x4xi32> to vector<128x4xf32>
    %dot_general3A = arith.constant dense<0.000000e+00> : vector<2000x4xf32>
    %dot_general3A_30 = tpu.matmul %mul3A, %convert_element_type3A_29, %dot_general3A {dimension_numbers = #tpu.dot_dimension_numbers<[1], [0], [0], [1], [0, 0, 1, 1], [], []>, transpose_lhs_hint = false} : vector<2000x128xf32>, vector<128x4xf32>, vector<2000x4xf32> -> vector<2000x4xf32>
    %mul3A_31 = arith.constant 0.0883883461 : f32
    %mul3A_32 = vector.broadcast %mul3A_31 : f32 to vector<2000x4xf32>
    %mul3A_33 = arith.mulf %dot_general3A_30, %mul3A_32 : vector<2000x4xf32>
    %ge3A = arith.constant 0.000000e+00 : f32
    %ge3A_34 = vector.broadcast %ge3A : f32 to vector<2000x4xf32>
    %ge3A_35 = arith.cmpf oge, %mul3A_33, %ge3A_34 : vector<2000x4xf32>
    %mul3A_36 = arith.constant 2.000000e-01 : f32
    %mul3A_37 = vector.broadcast %mul3A_36 : f32 to vector<2000x4xf32>
    %mul3A_38 = arith.mulf %mul3A_37, %mul3A_33 : vector<2000x4xf32>
    %select_n3A_39 = arith.select %ge3A_35, %mul3A_33, %mul3A_38 : vector<2000x4xi1>, vector<2000x4xf32>
    %exp3A = math.exp %select_n3A_39 : vector<2000x4xf32>
    %iota3A_40 = tpu.iota {dimensions = array<i32: 1>} : vector<4x128xi32>
    %jit3A_41 = arith.constant 32 : i32
    %div3A_42 = vector.broadcast %jit3A_41 : i32 to vector<4x128xi32>
    %div3A_43 = arith.divsi %iota3A_40, %div3A_42 : vector<4x128xi32>
    %sign3A_44 = arith.constant 0 : i32
    %sign3A_45 = vector.broadcast %sign3A_44 : i32 to vector<4x128xi32>
    %sign3A_46 = arith.cmpi sgt, %iota3A_40, %sign3A_45 : vector<4x128xi32>
    %sign3A_47 = arith.extui %sign3A_46 : vector<4x128xi1> to vector<4x128xi32>
    %sign3A_48 = arith.constant 0 : i32
    %sign3A_49 = vector.broadcast %sign3A_48 : i32 to vector<4x128xi32>
    %sign3A_50 = arith.cmpi slt, %iota3A_40, %sign3A_49 : vector<4x128xi32>
    %sign3A_51 = arith.extui %sign3A_50 : vector<4x128xi1> to vector<4x128xi32>
    %sign3A_52 = arith.subi %sign3A_47, %sign3A_51 : vector<4x128xi32>
    %sign3A_53 = arith.constant 0 : i32
    %sign3A_54 = arith.cmpi sgt, %jit3A_41, %sign3A_53 : i32
    %sign3A_55 = arith.extui %sign3A_54 : i1 to i32
    %sign3A_56 = arith.constant 0 : i32
    %sign3A_57 = arith.cmpi slt, %jit3A_41, %sign3A_56 : i32
    %sign3A_58 = arith.extui %sign3A_57 : i1 to i32
    %sign3A_59 = arith.subi %sign3A_55, %sign3A_58 : i32
    %ne3A_60 = vector.broadcast %sign3A_59 : i32 to vector<4x128xi32>
    %ne3A_61 = arith.cmpi ne, %sign3A_52, %ne3A_60 : vector<4x128xi32>
    %rem3A_62 = vector.broadcast %jit3A_41 : i32 to vector<4x128xi32>
    %rem3A_63 = arith.remsi %iota3A_40, %rem3A_62 : vector<4x128xi32>
    %ne3A_64 = arith.constant 0 : i32
    %ne3A_65 = vector.broadcast %ne3A_64 : i32 to vector<4x128xi32>
    %ne3A_66 = arith.cmpi ne, %rem3A_63, %ne3A_65 : vector<4x128xi32>
    %and3A_67 = arith.andi %ne3A_61, %ne3A_66 : vector<4x128xi1>
    %sub3A_68 = arith.constant 1 : i32
    %sub3A_69 = vector.broadcast %sub3A_68 : i32 to vector<4x128xi32>
    %sub3A_70 = arith.subi %div3A_43, %sub3A_69 : vector<4x128xi32>
    %select_n3A_71 = arith.select %and3A_67, %sub3A_70, %div3A_43 : vector<4x128xi1>, vector<4x128xi32>
    %iota3A_72 = tpu.iota {dimensions = array<i32: 0>} : vector<4x128xi32>
    %eq3A_73 = arith.cmpi eq, %select_n3A_71, %iota3A_72 : vector<4x128xi32>
    %convert_element_type3A_74 = arith.extui %eq3A_73 : vector<4x128xi1> to vector<4x128xi32>
    %convert_element_type3A_75 = arith.sitofp %convert_element_type3A_74 : vector<4x128xi32> to vector<4x128xf32>
    %dot_general3A_76 = arith.constant dense<0.000000e+00> : vector<2000x128xf32>
    %dot_general3A_77 = tpu.matmul %exp3A, %convert_element_type3A_75, %dot_general3A_76 {dimension_numbers = #tpu.dot_dimension_numbers<[1], [0], [0], [1], [0, 0, 1, 1], [], []>, transpose_lhs_hint = false} : vector<2000x4xf32>, vector<4x128xf32>, vector<2000x128xf32> -> vector<2000x128xf32>
    %get3A_78 = arith.constant 0 : index
    %get3A_79 = arith.constant 0 : index
    %get3A_80 = vector.load %arg3[%get3A_78, %get3A_79] : memref<2000x128xf32, #tpu.memory_space<vmem>>, vector<2000x128xf32>
    %mul3A_81 = arith.mulf %get3A_80, %dot_general3A_77 : vector<2000x128xf32>
    %swap3A = arith.constant 0 : index
    %swap3A_82 = arith.constant 0 : index
    %swap3A_83 = vector.load %arg4[%swap3A, %swap3A_82] : memref<2000x128xf32, #tpu.memory_space<vmem>>, vector<2000x128xf32>
    tpu.vector_store %arg4[%swap3A, %swap3A_82], %mul3A_81 {strides = array<i32>} : memref<2000x128xf32, #tpu.memory_space<vmem>>, vector<2000x128xf32>,
    %swap3A_84 = arith.constant 0 : index
    %swap3A_85 = arith.constant 0 : index
    %swap3A_86 = vector.load %arg5[%swap3A_84, %swap3A_85] : memref<2000x128xf32, #tpu.memory_space<vmem>>, vector<2000x128xf32>
    tpu.vector_store %arg5[%swap3A_84, %swap3A_85], %dot_general3A_77 {strides = array<i32>} : memref<2000x128xf32, #tpu.memory_space<vmem>>, vector<2000x128xf32>,
    return
  }
  func.func @transform_0(%arg0: i32) -> (i32, i32) {
    %c0_i32 = arith.constant 0 : i32
    %c0_i32_0 = arith.constant 0 : i32
    return %arg0, %c0_i32 : i32, i32
  }
  func.func @transform_1(%arg0: i32) -> (i32, i32) {
    %c0_i32 = arith.constant 0 : i32
    %c0_i32_0 = arith.constant 0 : i32
    return %arg0, %c0_i32 : i32, i32
  }
  func.func @transform_2(%arg0: i32) -> (i32, i32) {
    %c0_i32 = arith.constant 0 : i32
    %c0_i32_0 = arith.constant 0 : i32
    return %arg0, %c0_i32 : i32, i32
  }
  func.func @transform_3(%arg0: i32) -> (i32, i32) {
    %c0_i32 = arith.constant 0 : i32
    %c0_i32_0 = arith.constant 0 : i32
    return %arg0, %c0_i32 : i32, i32
  }
  func.func @transform_4(%arg0: i32) -> (i32, i32) {
    %c0_i32 = arith.constant 0 : i32
    %c0_i32_0 = arith.constant 0 : i32
    return %arg0, %c0_i32 : i32, i32
  }
}

module attributes {stable_mosaic.version = 14 : i64} {
  func.func @_combine_body(%arg0: i32, %arg1: memref<1x2000x128xf32, #tpu.memory_space<vmem>>, %arg2: memref<1x2000x128xf32, #tpu.memory_space<vmem>>, %arg3: memref<2000x128xf32, #tpu.memory_space<vmem>>) attributes {dimension_semantics = [#tpu.dimension_semantics<arbitrary>], iteration_bounds = array<i64: 5>, scalar_prefetch = 0 : i64, scratch_operands = 0 : i64, tpu.core_type = #tpu.core_type<tc>, window_params = [{transform_indices = @transform_0, window_bounds = array<i64: 1, 2000, 128>}, {transform_indices = @transform_1, window_bounds = array<i64: 1, 2000, 128>}, {transform_indices = @transform_2, window_bounds = array<i64: 2000, 128>}]} {
    %get3A = arith.constant 0 : index
    %get3A_0 = arith.constant 0 : index
    %get3A_1 = arith.constant 0 : index
    %get3A_2 = vector.load %arg1[%get3A, %get3A_0, %get3A_1] : memref<1x2000x128xf32, #tpu.memory_space<vmem>>, vector<1x2000x128xf32>
    %get3A_3 = vector.shape_cast %get3A_2 : vector<1x2000x128xf32> to vector<2000x128xf32>
    %get3A_4 = arith.constant 0 : index
    %get3A_5 = arith.constant 0 : index
    %get3A_6 = arith.constant 0 : index
    %get3A_7 = vector.load %arg2[%get3A_4, %get3A_5, %get3A_6] : memref<1x2000x128xf32, #tpu.memory_space<vmem>>, vector<1x2000x128xf32>
    %get3A_8 = vector.shape_cast %get3A_7 : vector<1x2000x128xf32> to vector<2000x128xf32>
    %gt3A = arith.constant 0.000000e+00 : f32
    %gt3A_9 = vector.broadcast %gt3A : f32 to vector<2000x128xf32>
    %gt3A_10 = arith.cmpf ogt, %get3A_8, %gt3A_9 : vector<2000x128xf32>
    %div3A = arith.divf %get3A_3, %get3A_8 : vector<2000x128xf32>
    %jit3A = arith.constant 0.000000e+00 : f32
    %broadcast_in_dim3A = vector.broadcast %jit3A : f32 to vector<2000x128xf32>
    %select_n3A = arith.select %gt3A_10, %div3A, %broadcast_in_dim3A : vector<2000x128xi1>, vector<2000x128xf32>
    %swap3A = arith.constant 0 : index
    %swap3A_11 = arith.constant 0 : index
    %swap3A_12 = vector.load %arg3[%swap3A, %swap3A_11] : memref<2000x128xf32, #tpu.memory_space<vmem>>, vector<2000x128xf32>
    tpu.vector_store %arg3[%swap3A, %swap3A_11], %select_n3A {strides = array<i32>} : memref<2000x128xf32, #tpu.memory_space<vmem>>, vector<2000x128xf32>,
    return
  }
  func.func @transform_0(%arg0: i32) -> (i32, i32, i32) {
    %c0_i32 = arith.constant 0 : i32
    %c0_i32_0 = arith.constant 0 : i32
    %c0_i32_1 = arith.constant 0 : i32
    return %c0_i32, %arg0, %c0_i32_0 : i32, i32, i32
  }
  func.func @transform_1(%arg0: i32) -> (i32, i32, i32) {
    %c1_i32 = arith.constant 1 : i32
    %c0_i32 = arith.constant 0 : i32
    %c0_i32_0 = arith.constant 0 : i32
    return %c1_i32, %arg0, %c0_i32 : i32, i32, i32
  }
  func.func @transform_2(%arg0: i32) -> (i32, i32) {
    %c0_i32 = arith.constant 0 : i32
    %c0_i32_0 = arith.constant 0 : i32
    return %arg0, %c0_i32 : i32, i32
  }
}

</mosaic_0001>

<sc_bundles>
// kernel: kernel.5.cloned.1.call-start
scs
__scs_entry_jumppad:
0x0: {  	(pc) =	sbr.rel $0x88, $3  }
0x1: {  	(tag) =	ssettag $0x0;
	lr =	simm.s32 $0x1  }
0x2: {  	[smem:$0x3F9D] =	sst lr;
	_ =	strace $0xD0000000  }
0x3: {  	_ = 	snop  }
0x4: {  	_ = 	snop  }
0x5: {  	_ = 	snop  }
0x6: {  	_ = 	snop  }
0x7: {  	_ = 	snop  }
__scs_overlays_trampoline_lowered:
0x8: {  	[smem:$0x3FAC] =	sst s0  }
0x9: {  	[smem:$0x3FAD] =	sst s1  }
0xa: {  	[smem:$0x3FAE] =	sst s2  }
0xb: {  	[smem:$0x3FAF] =	sst s3  }
0xc: {  	[smem:$0x3FB0] =	sst s4  }
0xd: {  	[smem:$0x3FB1] =	sst s5  }
0xe: {  	[smem:$0x3FB2] =	sst s6  }
0xf: {  	[smem:$0x3FB3] =	sst s7  }
0x10: {  	[smem:$0x3FB4] =	sst s8  }
0x11: {  	[smem:$0x3FB5] =	sst s9;
	s0 =	simm.s32 @!p0 $0x0  }
0x12: {  	s1 =	sld [smem:$0x3F9B];
	s0 =	simm.s32 @p0 $0x1  }
0x13: {  	[smem:$0x3FB6] =	sst s0;
	s0 =	simm.s32 @!p1 $0x0  }
0x14: {  	s2 =	sld [smem:$0x3F9A];
	s0 =	simm.s32 @p1 $0x1  }
0x15: {  	[smem:$0x3FB7] =	sst s0;
	s0 =	simm.s32 @!p2 $0x0  }
0x16: {  	s3 =	sld [smem:$0x3FDB];
	s0 =	simm.s32 @p2 $0x1  }
0x17: {  	s4 =	simm.s32 $0x1BF5;
	[smem:$0x3FB9] =	sst s0  }
0x18: {  	s0 =	sld [smem:$0x3F9C];
	_ =	swait.ge [sflag:s4], $0x0  }
0x19: {  	s7 =	sld [smem:$0x3F9D]  }
0x1a: {  	s8 =	sadd.s32 $0xFFFFE003, lr  }
0x1b: {  	s9 =	sadd.s32 $0xFFFFFEF7, lr;
	s5 =	simm.s32 $0xFFFFFFFF;
	p2 =	slt.u32 s8, $0xFFFFF086  }
0x1c: {  	p1 =	slt.u32 s9, $0xF7A;
	s5 =	simm.s32 @!p2 $0x0  }
0x1d: {  	s5 =	simm.s32 @p1 $0x1;
	p0 =	seq.s32 s7, s2  }
0x1e: {  	s7 =	smul.u32 @!p0 $0xF7A, s2;
	p2 =	seq.s32 @!p0 s5, $0x0  }
0x1f: {  	s9 =	smul.u32 $0xF7A, s1;
	s8 =	simm.s32 @!p0 $0x1BF5;
	p2 =	por !p2, p0  }
0x20: {  	[sflag:s8] =	ssyncset.s32 @!p0 $0xFFFFF086;
	s6 =	sadd.s32 @!p0 s3, s7;
	s7 =	simm.s32 @!p0 $0x108  }
0x21: {  	s3 =	sadd.s32 s3, s9;
	s6 =	sadd.s32 @!p0 $0x88, s6;
	s7 =	simm.s32 @p2 $0x1082  }
0x22: {  	[simem:s7], [sflag:s8] =	dma.local @!p0 [hbm:s6], $0xF7A  }
0x23: {  	s9 =	sor.u32 $0xD0000000, s2;
	s6 =	simm.s32 $0x108;
	_ =	swait.ge @!p0 [sflag:s8], $0x0  }
0x24: {  	s3 =	sadd.s32 $0x88, s3;
	s6 =	simm.s32 @!p1 $0x1082;
	[sflag:s4] =	ssyncset.s32 $0xFFFFF086  }
0x25: {  	[simem:s6], [sflag:s4] =	dma.local [hbm:s3], $0xF7A  }
0x26: {  	[smem:$0x3F9D] =	sst s1;
	(tag) =	ssettag s2;
	_ =	strace s9  }
0x27: {  	s1 =	sld [smem:$0x3FAD]  }
0x28: {  	s2 =	sld [smem:$0x3FAE]  }
0x29: {  	s4 =	sld [smem:$0x3FB0]  }
0x2a: {  	p0 =	seq.s32 s5, $0x0;
	s5 =	sld [smem:$0x3FB1]  }
0x2b: {  	s6 =	sld [smem:$0x3FB2]  }
0x2c: {  	s7 =	sld [smem:$0x3FB3]  }
0x2d: {  	s3 =	simm.s32 $0x108;
	s8 =	sld [smem:$0x3FB4]  }
0x2e: {  	s3 =	simm.s32 @!p0 $0x1082;
	s9 =	sld [smem:$0x3FB5]  }
0x2f: {  	lr =	sadd.s32 s0, s3;
	s0 =	sld [smem:$0x3FAC]  }
0x30: {  	s3 =	sld [smem:$0x3FAF]  }
0x31: {  	[smem:$0x3FB8] =	sst s10  }
0x32: {  	s10 =	sld [smem:$0x3FB6];
	_ =	sdelay $0x3  }
0x33: {  	p0 =	seq.s32 s10, $0x1;
	s10 =	sld [smem:$0x3FB8];
	_ =	sdelay $0x3  }
0x34: {  	[smem:$0x3FB8] =	sst s10  }
0x35: {  	s10 =	sld [smem:$0x3FB7];
	_ =	sdelay $0x3  }
0x36: {  	p1 =	seq.s32 s10, $0x1;
	s10 =	sld [smem:$0x3FB8];
	_ =	sdelay $0x3  }
0x37: {  	[smem:$0x3FB8] =	sst s10  }
0x38: {  	s10 =	sld [smem:$0x3FB9]  }
0x39: {  	_ = 	snop;
	(pc) =	sbr.ind lr, $3  }
0x3a: {  	_ = 	snop  }
0x3b: {  	_ = 	snop  }
0x3c: {  	p2 =	seq.s32 s10, $0x1;
	s10 =	sld [smem:$0x3FB8]  }
0x3d: {  	_ =	shalt  }
0x3e: {  	_ =	shalt  }
0x3f: {  	_ =	shalt  }
0x40: {  	_ =	shalt  }
0x41: {  	_ =	shalt  }
0x42: {  	_ =	shalt  }
0x43: {  	_ =	shalt  }
0x44: {  	_ =	shalt  }
0x45: {  	_ =	shalt  }
0x46: {  	_ =	shalt  }
0x47: {  	_ =	shalt  }
0x48: {  	_ =	shalt  }
0x49: {  	_ =	shalt  }
0x4a: {  	_ =	shalt  }
0x4b: {  	_ =	shalt  }
0x4c: {  	_ =	shalt  }
0x4d: {  	_ =	shalt  }
0x4e: {  	_ =	shalt  }
0x4f: {  	_ =	shalt  }
0x50: {  	_ =	shalt  }
0x51: {  	_ =	shalt  }
0x52: {  	_ =	shalt  }
0x53: {  	_ =	shalt  }
0x54: {  	_ =	shalt  }
0x55: {  	_ =	shalt  }
0x56: {  	_ =	shalt  }
0x57: {  	_ =	shalt  }
0x58: {  	_ =	shalt  }
0x59: {  	_ =	shalt  }
0x5a: {  	_ =	shalt  }
0x5b: {  	_ =	shalt  }
0x5c: {  	_ =	shalt  }
0x5d: {  	_ =	shalt  }
0x5e: {  	_ =	shalt  }
0x5f: {  	_ =	shalt  }
0x60: {  	_ =	shalt  }
0x61: {  	_ =	shalt  }
0x62: {  	_ =	shalt  }
0x63: {  	_ =	shalt  }
0x64: {  	_ =	shalt  }
0x65: {  	_ =	shalt  }
0x66: {  	_ =	shalt  }
0x67: {  	_ =	shalt  }
0x68: {  	_ =	shalt  }
0x69: {  	_ =	shalt  }
0x6a: {  	_ =	shalt  }
0x6b: {  	_ =	shalt  }
0x6c: {  	_ =	shalt  }
0x6d: {  	_ =	shalt  }
0x6e: {  	_ =	shalt  }
0x6f: {  	_ =	shalt  }
0x70: {  	_ =	shalt  }
0x71: {  	_ =	shalt  }
0x72: {  	_ =	shalt  }
0x73: {  	_ =	shalt  }
0x74: {  	_ =	shalt  }
0x75: {  	_ =	shalt  }
0x76: {  	_ =	shalt  }
0x77: {  	_ =	shalt  }
0x78: {  	_ =	shalt  }
0x79: {  	_ =	shalt  }
0x7a: {  	_ =	shalt  }
0x7b: {  	_ =	shalt  }
0x7c: {  	_ =	shalt  }
0x7d: {  	_ =	shalt  }
0x7e: {  	_ =	shalt  }
0x7f: {  	_ =	shalt  }
0x80: {  	_ =	shalt  }
0x81: {  	_ =	shalt  }
0x82: {  	_ =	shalt  }
0x83: {  	_ =	shalt  }
0x84: {  	_ =	shalt  }
0x85: {  	_ =	shalt  }
0x86: {  	_ =	shalt  }
0x87: {  	_ =	shalt  }
.Lfunc_end0:
.L_simem_size_0:
called_computation_lowered:
.L_overlay_start_0:
0x88: {  	s2 =	sld [smem:$0x3FD9]  }
0x89: {  	s3 =	sld [smem:$0x3FFE];
	_ =	sdelay $0x1  }
0x8a: {  	s1 =	srdreg.scid  }
0x8b: {  	s0 =	sand.u32 $0x1, s1  }
0x8c: {  	s17 =	sshll.u32 s0, $0xA;
	s2 =	sadd.s32 s3, s2  }
0x8d: {  	s2 =	sadd.s32 s2, s17  }
0x8e: {  	[smem:$0x3FC4] =	sst s2  }
0x8f: {  	_ = 	snop  }
0x90: {  	s2 =	sld [smem:$0x3FD0];
	(tm) =	ssettm $0x1  }
0x91: {  	s18 =	sld [smem:$0x3FFB];
	_ =	sdelay $0x3  }
0x92: {  	_ =	strace s18  }
0x93: {  	s3 =	sld [smem:$0x3FFC];
	_ =	sdelay $0x3  }
0x94: {  	_ =	strace s3  }
0x95: {  	s3 =	sld [smem:$0x3FFD];
	_ =	sdelay $0x3  }
0x96: {  	_ =	strace s3  }
0x97: {  	_ =	strace $0x8FFFFFFF  }
0x98: {  	s19 =	sld [smem:$0x3FDB];
	_ =	sdelay $0x1  }
0x99: {  	s4 =	simm.s32 $_scs_section_size  }
0x9a: {  	s5 =	simm.s32 $_size__tile_overlayer_lowered;
	s6 =	simm.s32 $_tile_overlayer_lowered  }
0x9b: {  	s22 =	simm.s32 $0x1BFF;
	s21 =	sshll.u32 s6, $0x1;
	s3 =	sadd.s32 s4, s19  }
0x9c: {  	s7 =	simm.s32 $0x0;
	s20 =	sshll.u32 s5, $0x1;
	s5 =	sadd.s32 s21, s3  }
0x9d: {  	[timem:s7], [sflag:s22] =	dma.local [hbm:s5], s20  }
0x9e: {  	_ =	swait.ge [sflag:s22], s20  }
0x9f: {  	s4 =	ssub.s32 $0x0, s20;
	[sflag:s22] =	ssyncset.done $0x0  }
0xa0: {  	[sflag:s22] =	ssyncadd.s32 s4;
	_ =	sdelay $0x1  }
0xa1: {  	s23 =	simm.s32 $0x1B8B  }
0xa2: {  	_ =	swait.ge [sflag:s23], $0x1  }
0xa3: {  	[sflag:s23] =	ssyncset.done $0x0  }
0xa4: {  	s25 =	simm.s32 $0x1B8E;
	s24 =	sld [smem:$0x3FFE];
	[sflag:s23] =	ssyncadd.s32 $0xFFFFFFFF  }
0xa5: {  	s26 =	simm.s32 $execute0_lowered;
	[smem:$0x3FD2] =	sst s25  }
0xa6: {  	s5 =	sshll.u32 s26, $0x1;
	_ =	strace $0x80000046;
	[dreg:$0x1] =	wrdreg $0xFFFFFFFF  }
0xa7: {  	s28 =	simm.s32 $_size_execute0_lowered;
	s3 =	sadd.s32 s3, s5;
	[dreg:$0x0] =	wrdreg $0x0  }
0xa8: {  	s5 =	sshll.u32 s28, $0x1;
	[dreg:$0x2] =	wrdreg s3  }
0xa9: {  	[dreg:$0x3] =	wrdreg s5  }
0xaa: {  	[dreg:$0x4] =	wrdreg $0xC0  }
0xab: {  	_ =	task [dreg:s7], $0x5FFFF  }
0xac: {  	[dreg:$0x1] =	wrdreg $0xFFFFFFFF  }
0xad: {  	[dreg:$0x0] =	wrdreg $0x60  }
0xae: {  	[dreg:$0x2] =	wrdreg s24  }
0xaf: {  	[dreg:$0x3] =	wrdreg s2  }
0xb0: {  	[dreg:$0x4] =	wrdreg $0xC2000  }
0xb1: {  	[dreg:$0x5] =	wrdreg $0x9  }
0xb2: {  	_ =	task.clear_ibuf [dreg:s7], $0x6FFFF;
	_ =	strace $0x90000046  }
0xb3: {  	s29 =	simm.s32 $0x9;
	_ =	strace $0x80000048  }
0xb4: {  	_ =	swait.ge [sflag:s29], $0x1  }
0xb5: {  	[sflag:s29] =	ssyncadd.s32 $0xFFFFFFFF  }
0xb6: {  	_ =	strace $0x90000048  }
0xb7: {  	_ =	sfence  }
0xb8: {  	s30 =	sld [smem:$0x0];
	_ =	sdelay $0x2  }
0xb9: {  	s31 =	sshll.u32 s1, $0xD;
	s1 =	sshrl.u32 s1, $0x2  }
0xba: {  	s3 =	sand.u32 $0x4000, s31;
	s1 =	sadd.s32 s1, s30  }
0xbb: {  	s0 =	sor.u32 s3, s0;
	s1 =	sshll.u32 s1, $0x11  }
0xbc: {  	s0 =	sor.u32 s1, s0  }
0xbd: {  	s0 =	sadd.s32 $0x8F2B, s0  }
0xbe: {  	[sflag:s0] =	ssyncadd.remote.s32 $0x1  }
0xbf: {  	_ =	sfence.sel $0xFFFF  }
0xc0: {  	[dreg:$0x0] =	wrdreg $0xFFFFFFFF;
	(pc) =	sbr.abs _section_cstart, $3  }
0xc1: {  	[dreg:$0x1] =	wrdreg $0xFFFFFFFF  }
0xc2: {  	_ =	task.clear_ibuf [dreg:s7], $0x2FFFF;
	_ =	strace $0x9FFFFFFF  }
0xc3: {  	(tm) =	ssettm $0x7FFFFFFF  }
tec
execute0_lowered:
.L_overlay_start_1:
0x0: {  	(tag) =	ssettag $0x1  }
0x1: {  	s0 =	rddreg [dreg:$0x0]  }
0x2: {  	s12 =	rddreg [dreg:$0x1]  }
0x3: {  	s3 =	rddreg [dreg:$0x2];
	s5 =	stileid.u32  }
0x4: {  	s4 =	simm.s32 $0x0;
	s6 =	srdreg.scid;
	s28 =	simm.s32 $0x2  }
0x5: {  	s29 =	simm.s32 $0x1200;
	s30 =	simm.s32 $0x3;
	s31 =	simm.s32 $0x0  }
0x6: {  	s1 =	sshrl.u32 s5, $0x3;
	[smem:$0x7FF] =	sst s4;
	s9 =	smul.u32 $0x50000, s5  }
0x7: {  	s2 =	sshll.u32 s5, $0x7;
	s16 =	sadd.s32 $0xA200, s0;
	s11 =	smul.u32 $0x271000, s5  }
0x8: {  	s22 =	sand.u32 $0x1, s6;
	s6 =	sadd.s32 $0x4EC200, s0;
	s15 =	smul.u32 $0x4E200, s5  }
0x9: {  	s19 =	sadd.s32 $0x12C000, s3;
	p1 =	seq.s32 s5, $0xF;
	s1 =	smul.u32 $0x27400, s1  }
0xa: {  	_ =	strace $0x80000047;
	s2 =	sand.u32 $0x380, s2;
	s7 =	smul.u32 $0x27100, s22  }
0xb: {  	s8 =	ssub.s32 $0x2, s22;
	p0 =	seq.s32 s22, $0x1;
	[dreg:$0x4] =	wrdreg s16  }
0xc: {  	s21 =	sshrl.u32 @p1 s19, $0x3;
	s10 =	sshrl.u32 s8, $0x1;
	s23 =	sshrl.u32 s9, $0x2  }
0xd: {  	s14 =	sshrl.u32 s11, $0x3;
	s11 =	sadd.s32 s16, s15;
	s15 =	sadd.s32 s6, s15  }
0xe: {  	s1 =	sor.u32 s2, s1;
	s13 =	ssub.s32 s8, s10;
	s8 =	sadd.s32 s23, s3  }
0xf: {  	s10 =	sadd.s32 $0x25800, s12;
	s24 =	sadd.s32 $0x800, s14;
	s14 =	sadd.s32 $0x4E000, s14  }
0x10: {  	s20 =	sadd.s32 $0x1000, s15;
	s23 =	simm.s32 $0x200;
	s1 =	sshrl.u32 s1, $0x3  }
0x11: {  	s25 =	sadd.s32 s16, s24;
	s26 =	sadd.s32 s6, s24;
	s18 =	smax.u32 s13, $0x1  }
.Ltmp0:
0x12: {  	s13 =	sadd.s32 $0x1000, s11;
	s24 =	simm.s32 $0x4200;
	(pc) =	sbr.rel .LBB2_1-.Ltmp0, $4  }
0x13: {  	s1 =	sadd.s32 s1, s0;
	s0 =	sadd.s32 s7, s0;
	[dreg:$0x5] =	wrdreg s25  }
0x14: {  	s7 =	smul.u32 $0x2800, s5;
	[dreg:$0x6] =	wrdreg s26;
	s25 =	simm.s32 $0x80  }
0x15: {  	s26 =	simm.s32 $0x1;
	s17 =	sadd.s32 $0x9CE200, s0;
	s0 =	sshll.u32 @!p1 s5, $0x6  }
0x16: {  	s9 =	sadd.s32 s12, s7;
	s12 =	sadd.s32 $0x400, s1;
	s22 =	sor.u32 @!p1 $0x1C03, s0  }
.LBB2_4:
0x17: {  	s1 =	rddreg [dreg:$0x4]  }
.LBB2_8:
0x18: {  	_ =	swait.ge [sflag:s28], $0x4000  }
0x19: {  	[sflag:s28] =	ssyncset.done $0x0  }
0x1a: {  	[sflag:s28] =	ssyncadd.s32 $0xFFFFC000  }
0x1b: {  	s2 =	rddreg [dreg:$0x1]  }
0x1c: {  	[tilespmem:s29], [sflag:$0x3] =	stream.linear.gather [hbm4b:s2+s4], $0x3000, $0x38;
	[tilespmem:$0x1FA80] =	vst v63  }
0x1d: {  	_ =	swait.ge [sflag:s30], $0x3000  }
0x1e: {  	[sflag:s30] =	ssyncset.done $0x0  }
0x1f: {  	s1 =	sadd.s32 s1, s14;
	[sflag:s30] =	ssyncadd.s32 $0xFFFFD000  }
0x20: {  	[tilespmem:s23], [sflag:$0x3] =	stream.linear.gather [hbm4b:s1+s4], $0x1000, $0x38;
	[tilespmem:$0x1FA80] =	vst v63  }
0x21: {  	_ =	swait.ge [sflag:s30], $0x1000  }
0x22: {  	[sflag:s30] =	ssyncset.done $0x0  }
0x23: {  	s19 =	sadd.s32 $0x4E00, s12;
	[sflag:s30] =	ssyncadd.s32 $0xFFFFF000  }
0x24: {  	[tilespmem:s4], [sflag:$0x3] =	stream.linear.gather [hbm4b:s19+s4], $0x80, $0x38;
	[tilespmem:$0x1FA80] =	vst v63  }
0x25: {  	_ =	swait.ge [sflag:s30], $0x80  }
0x26: {  	[sflag:s30] =	ssyncset.done $0x0  }
0x27: {  	[sflag:s30] =	ssyncadd.s32 $0xFFFFFF80  }
0x28: {  	[spmem:s3] =	stream.indirect.scatter.add.f32 [tilespmem:s23], [sflag:$0x3], $0x80, s4, s25, $0xb8;
	[tilespmem:$0x1FA80] =	vst v63  }
0x29: {  	_ =	swait.ge [sflag:s30], $0x4000  }
0x2a: {  	[sflag:s30] =	ssyncset.done $0x0  }
0x2b: {  	[sflag:s30] =	ssyncadd.s32 $0xFFFFC000  }
0x2c: {  	s2 =	simm.s32 @p1 $0x1FC3;
	s1 =	sadd.s32 @p1 $0x25800, s17;
	[bflag:$0x0] =	sbarrier.arrive $0xFFFF  }
0x2d: {  	[hbm:s1], [sflag:s2] =	dma.local @p1 [spmem:s21], $0x1900  }
0x2e: {  	s1 =	simm.s32 @p1 $0x3  }
0x2f: {  	_ =	swait.ge @p1 [sflag:s1], $0x1900  }
0x30: {  	s31 =	sadd.s32 $0x1, s31;
	[sflag:s1] =	ssyncset.done @p1 $0x0  }
0x31: {  	p2 =	sne.s32 s31, s18;
	[sflag:s1] =	ssyncadd.s32 @p1 $0xFFFFE700;
	s1 =	sadd.s32 @!p1 s7, s17  }
0x32: {  	[hbm:s1], [sflag:s22] =	dma.local @!p1 [spmem:s0], $0x2800  }
.Ltmp1:
0x33: {  	_ = 	snop;
	(pc) =	sbr.rel @!p2 .LBB2_9-.Ltmp1, $4  }
0x34: {  	s0 =	simm.s32 @!p1 $0x3  }
0x35: {  	_ =	swait.ge @!p1 [sflag:s0], $0x2800  }
0x36: {  	[sflag:s0] =	ssyncset.done @!p1 $0x0  }
0x37: {  	[sflag:s0] =	ssyncadd.s32 @!p1 $0xFFFFD800  }
.LBB2_1:
0x38: {  	s0 =	simm.s32 @p1 $0x1FC3  }
0x39: {  	[spmem:s21], [sflag:s0] =	dma.local @p1 [hbm:s10], $0x1900  }
0x3a: {  	s0 =	simm.s32 @p1 $0x3  }
0x3b: {  	_ =	swait.ge @p1 [sflag:s0], $0x1900  }
0x3c: {  	[sflag:s0] =	ssyncset.done @p1 $0x0  }
0x3d: {  	s1 =	simm.s32 @!p1 $0x3;
	[sflag:s0] =	ssyncadd.s32 @p1 $0xFFFFE700;
	s0 =	sshrl.u32 @!p1 s8, $0x3  }
0x3e: {  	[spmem:s0], [sflag:s22] =	dma.local @!p1 [hbm:s9], $0x2800  }
.Ltmp2:
0x3f: {  	_ =	swait.ge @!p1 [sflag:s1], $0x2800;
	(pc) =	sbr.rel @!p0 .LBB2_2-.Ltmp2, $4  }
0x40: {  	[sflag:s1] =	ssyncset.done @!p1 $0x0  }
0x41: {  	[sflag:s1] =	ssyncadd.s32 @!p1 $0xFFFFD800  }
0x42: {  	[bflag:$0x0] =	sbarrier.arrive $0xFFFF  }
0x43: {  	s1 =	simm.s32 $0x0  }
0x44: {  	[tilespmem:s23], [sflag:$0x1] =	stream.linear.gather [hbm4b:s15+s1], $0x4000, $0x38;
	[tilespmem:$0x1FA80] =	vst v63  }
0x45: {  	_ = 	snop  }
0x46: {  	[tilespmem:s1], [sflag:$0x1] =	stream.linear.gather [hbm4b:s12+s1], $0x80, $0x38;
	[tilespmem:$0x1FA80] =	vst v63  }
0x47: {  	s2 =	rddreg [dreg:$0x6]  }
0x48: {  	[tilespmem:s24], [sflag:$0x1] =	stream.linear.gather [hbm4b:s2+s1], $0x4000, $0x38;
	[tilespmem:$0x1FA80] =	vst v63  }
0x49: {  	s19 =	sadd.s32 $0x80, s12  }
0x4a: {  	[tilespmem:s25], [sflag:$0x1] =	stream.linear.gather [hbm4b:s19+s1], $0x80, $0x38;
	[tilespmem:$0x1FA80] =	vst v63  }
0x4b: {  	s2 =	sadd.s32 $0x100, s12;
	s19 =	smov.u32 s20  }
.LBB2_6:
0x4c: {  	s5 =	smul.u32 $0xAB, s1;
	_ =	sdelay $0x1  }
0x4d: {  	s5 =	sshrl.u32 s5, $0x9  }
0x4e: {  	s5 =	sand.u32 $0x7F, s5  }
0x4f: {  	_ =	swait.ge [sflag:s26], $0x4000;
	s5 =	smul.u32 $0x3, s5  }
0x50: {  	[sflag:s26] =	ssyncset.done $0x0  }
0x51: {  	[sflag:s26] =	ssyncadd.s32 $0xFFFFC000;
	s5 =	ssub.s32 s1, s5  }
0x52: {  	_ =	swait.ge [sflag:s26], $0x80;
	s5 =	sand.u32 $0xFF, s5  }
0x53: {  	p2 =	seq.s32 s1, $0x0;
	[sflag:s26] =	ssyncset.done $0x0;
	s16 =	sshll.u32 s5, $0xE  }
0x54: {  	[sflag:s26] =	ssyncadd.s32 $0xFFFFFF80;
	s5 =	sshll.u32 s5, $0x7;
	s16 =	sor.u32 $0x200, s16  }
0x55: {  	[spmem:s3] =	stream.indirect.scatter.add.f32 [tilespmem:s16], [sflag:$0x2], $0x80, s5, s25, $0xb8;
	[tilespmem:$0x1FA80] =	vst v63  }
0x56: {  	s5 =	simm.s32 @!p2 $0x2  }
0x57: {  	p3 =	sgt.u32 @!p2 s1, $0x99;
	_ =	swait.ge @!p2 [sflag:s5], $0x4000  }
0x58: {  	p3 =	por p2, !p3;
	[sflag:s5] =	ssyncset.done @!p2 $0x0  }
0x59: {  	[sflag:s5] =	ssyncadd.s32 @!p2 $0xFFFFC000;
	s5 =	sadd.s32 @p3 $0x2, s1  }
0x5a: {  	s16 =	smul.u32 @p3 $0xAB, s5;
	_ =	sdelay $0x1  }
0x5b: {  	s16 =	sshrl.u32 @p3 s16, $0x9  }
0x5c: {  	s16 =	sand.u32 @p3 $0x7F, s16  }
0x5d: {  	s16 =	smul.u32 @p3 $0x3, s16;
	_ =	sdelay $0x1  }
0x5e: {  	s5 =	ssub.s32 @p3 s5, s16  }
0x5f: {  	s1 =	sadd.s32 $0x1, s1;
	s5 =	sand.u32 @p3 $0xFF, s5  }
0x60: {  	p2 =	sne.s32 s1, $0x9C;
	s16 =	sshll.u32 @p3 s5, $0xE  }
.Ltmp3:
0x61: {  	s16 =	sor.u32 @p3 $0x200, s16;
	(pc) =	sbr.rel @p2 .LBB2_6-.Ltmp3, $4  }
0x62: {  	[tilespmem:s16], [sflag:$0x1] =	stream.linear.gather @p3 [hbm4b:s19+s4], $0x4000, $0x38;
	[tilespmem:$0x1FA80] =	vst v63  }
0x63: {  	s5 =	sshll.u32 @p3 s5, $0x7  }
0x64: {  	[tilespmem:s5], [sflag:$0x1] =	stream.linear.gather @p3 [hbm4b:s2+s4], $0x80, $0x38;
	[tilespmem:$0x1FA80] =	vst v63  }
0x65: {  	s19 =	sadd.s32 $0x800, s19;
	s2 =	sadd.s32 $0x80, s2  }
.Ltmp4:
0x66: {  	(pc) =	sbr.rel .LBB2_8-.Ltmp4, $2  }
0x67: {  	_ =	sdelay $0x2  }
0x68: {  	s1 =	smov.u32 s6  }
.LBB2_2:
0x69: {  	[tilespmem:s23], [sflag:$0x1] =	stream.linear.gather [hbm4b:s11+s1], $0x4000, $0x38;
	[tilespmem:$0x1FA80] =	vst v63  }
0x6a: {  	_ = 	snop  }
0x6b: {  	[tilespmem:s1], [sflag:$0x1] =	stream.linear.gather [hbm4b:s12+s1], $0x80, $0x38;
	[tilespmem:$0x1FA80] =	vst v63  }
0x6c: {  	s2 =	rddreg [dreg:$0x5]  }
0x6d: {  	[tilespmem:s24], [sflag:$0x1] =	stream.linear.gather [hbm4b:s2+s1], $0x4000, $0x38;
	[tilespmem:$0x1FA80] =	vst v63  }
0x6e: {  	s19 =	sadd.s32 $0x80, s12  }
0x6f: {  	[tilespmem:s25], [sflag:$0x1] =	stream.linear.gather [hbm4b:s19+s1], $0x80, $0x38;
	[tilespmem:$0x1FA80] =	vst v63  }
0x70: {  	s2 =	sadd.s32 $0x100, s12;
	s19 =	smov.u32 s13  }
.LBB2_3:
0x71: {  	s5 =	smul.u32 $0xAB, s1;
	_ =	sdelay $0x1  }
0x72: {  	s5 =	sshrl.u32 s5, $0x9  }
0x73: {  	s5 =	sand.u32 $0x7F, s5  }
0x74: {  	_ =	swait.ge [sflag:s26], $0x4000;
	s5 =	smul.u32 $0x3, s5  }
0x75: {  	[sflag:s26] =	ssyncset.done $0x0  }
0x76: {  	[sflag:s26] =	ssyncadd.s32 $0xFFFFC000;
	s5 =	ssub.s32 s1, s5  }
0x77: {  	_ =	swait.ge [sflag:s26], $0x80;
	s5 =	sand.u32 $0xFF, s5  }
0x78: {  	p2 =	seq.s32 s1, $0x0;
	[sflag:s26] =	ssyncset.done $0x0;
	s16 =	sshll.u32 s5, $0xE  }
0x79: {  	[sflag:s26] =	ssyncadd.s32 $0xFFFFFF80;
	s5 =	sshll.u32 s5, $0x7;
	s16 =	sor.u32 $0x200, s16  }
0x7a: {  	[spmem:s3] =	stream.indirect.scatter.add.f32 [tilespmem:s16], [sflag:$0x2], $0x80, s5, s25, $0xb8;
	[tilespmem:$0x1FA80] =	vst v63  }
0x7b: {  	s5 =	simm.s32 @!p2 $0x2  }
0x7c: {  	p3 =	sgt.u32 @!p2 s1, $0x99;
	_ =	swait.ge @!p2 [sflag:s5], $0x4000  }
0x7d: {  	p3 =	por p2, !p3;
	[sflag:s5] =	ssyncset.done @!p2 $0x0  }
0x7e: {  	[sflag:s5] =	ssyncadd.s32 @!p2 $0xFFFFC000;
	s5 =	sadd.s32 @p3 $0x2, s1  }
0x7f: {  	s16 =	smul.u32 @p3 $0xAB, s5;
	_ =	sdelay $0x1  }
0x80: {  	s16 =	sshrl.u32 @p3 s16, $0x9  }
0x81: {  	s16 =	sand.u32 @p3 $0x7F, s16  }
0x82: {  	s16 =	smul.u32 @p3 $0x3, s16;
	_ =	sdelay $0x1  }
0x83: {  	s5 =	ssub.s32 @p3 s5, s16  }
0x84: {  	s1 =	sadd.s32 $0x1, s1;
	s5 =	sand.u32 @p3 $0xFF, s5  }
0x85: {  	p2 =	seq.s32 s1, $0x9C;
	s16 =	sshll.u32 @p3 s5, $0xE  }
.Ltmp5:
0x86: {  	s16 =	sor.u32 @p3 $0x200, s16;
	(pc) =	sbr.rel @!p2 .LBB2_3-.Ltmp5, $4  }
0x87: {  	[tilespmem:s16], [sflag:$0x1] =	stream.linear.gather @p3 [hbm4b:s19+s4], $0x4000, $0x38;
	[tilespmem:$0x1FA80] =	vst v63  }
0x88: {  	s5 =	sshll.u32 @p3 s5, $0x7  }
0x89: {  	[tilespmem:s5], [sflag:$0x1] =	stream.linear.gather @p3 [hbm4b:s2+s4], $0x80, $0x38;
	[tilespmem:$0x1FA80] =	vst v63  }
0x8a: {  	s19 =	sadd.s32 $0x800, s19;
	s2 =	sadd.s32 $0x80, s2  }
.Ltmp6:
0x8b: {  	_ = 	snop;
	(pc) =	sbr.rel .LBB2_4-.Ltmp6, $1  }
0x8c: {  	_ =	sdelay $0x3  }
.LBB2_9:
0x8d: {  	_ =	sfence.sel $0x180000  }
0x8e: {  	[bflag:$0x0] =	sbarrier.arrive $0xFFFF  }
0x8f: {  	_ =	strace $0x90000047  }
0x90: {  	s0 =	stileid.u32;
	[bflag:$0x2] =	sbarrier.arrive $0xFFFF  }
0x91: {  	p0 =	sne.s32 s0, $0x0;
	s0 =	rddreg [dreg:$0x3]  }
0x92: {  	s0 =	sadd.s32 @!p0 $0x100000, s0  }
0x93: {  	[sflag:s0] =	ssyncadd.tile.s32 @!p0 $0x1;
	_ =	shalt  }
.Lfunc_end2:
_tile_overlayer_lowered:
.L_overlay_start_2:
0x94: {  	(tag) =	ssettag $0x2  }
0x95: {  	s0 =	rddreg [dreg:$0x0];
	s2 =	stileid.u32  }
0x96: {  	s1 =	rddreg [dreg:$0x1];
	p0 =	sne.s32 s2, $0x0  }
0x97: {  	s3 =	rddreg [dreg:$0x2];
	[bflag:$0x3] =	sbarrier.arrive $0xFFFF;
	s2 =	simm.s32 @!p0 $0x1C03  }
0x98: {  	[timem:s3], [sflag:s2] =	dma.local @!p0 [hbm:s0], s1  }
0x99: {  	s0 =	simm.s32 @!p0 $0x3  }
0x9a: {  	_ =	swait.ge @!p0 [sflag:s0], s1  }
0x9b: {  	s1 =	ssub.s32 @!p0 $0x0, s1;
	[sflag:s0] =	ssyncset.done @!p0 $0x0  }
0x9c: {  	[sflag:s0] =	ssyncadd.s32 @!p0 s1  }
0x9d: {  	[bflag:$0x3] =	sbarrier.arrive $0xFFFF  }
0x9e: {  	_ =	shalt  }

</sc_bundles>
